<compile_context>
chip_gen: v7x
topology: tpu7x:2x2x1
jax: 0.10.2.dev20260603
libtpu: 0.0.44.dev20260713+nightly
codegen_flags: <defaults>
</compile_context>

<pallas_src>
import functools

import jax
import jax.numpy as jnp
from jax import lax
from jax.experimental import pallas as pl
from jax.experimental.pallas import tpu as pltpu
from jax.experimental.pallas import tpu_sc as plsc

ROWS = 128
COLS = 32768
LANES = 16
NUM_WORKERS = 32
ROWS_PER_WORKER = ROWS // NUM_WORKERS
UNROLL = 8
STRIDE = UNROLL * LANES

_GATHER_DNUMS = lax.GatherDimensionNumbers(
    offset_dims=(), collapsed_slice_dims=(0,), start_index_map=(0,))


def _lane_gather(x, perm):
    return lax.gather(
        x, perm[:, None], _GATHER_DNUMS, slice_sizes=(1,),
        mode=lax.GatherScatterMode.PROMISE_IN_BOUNDS)


def _merge(va, ia, vb, ib):
    take = (vb > va) | ((vb == va) & (ib < ia))
    return jnp.where(take, vb, va), jnp.where(take, ib, ia)


def _argmax_body(logits_hbm, out_hbm, buf0, buf1, sem0, sem1, res_v):
    cid = lax.axis_index("c")
    sid = lax.axis_index("s")
    wid = sid * 2 + cid
    base_row = wid * ROWS_PER_WORKER

    bufs = (buf0, buf1)
    sems = (sem0, sem1)
    copies = [None, None]
    copies[0] = pltpu.async_copy(
        logits_hbm.at[base_row], buf0.at[pl.ds(0, COLS)], sem0)

    iota = lax.broadcasted_iota(jnp.int32, (LANES,), 0)
    n_iters = COLS // STRIDE

    for r in range(ROWS_PER_WORKER):
        if r + 1 < ROWS_PER_WORKER:
            copies[(r + 1) % 2] = pltpu.async_copy(
                logits_hbm.at[base_row + r + 1],
                bufs[(r + 1) % 2].at[pl.ds(0, COLS)],
                sems[(r + 1) % 2])
        copies[r % 2].wait()
        buf = bufs[r % 2]

        xs0 = tuple(buf[pl.ds(u * LANES, LANES)] for u in range(UNROLL))
        init = (tuple(jnp.full((LANES,), -jnp.inf, jnp.float32)
                      for _ in range(UNROLL)),
                tuple(iota for _ in range(UNROLL)),
                xs0)

        @plsc.parallel_loop(0, n_iters, 1, carry=init)
        def body(i, carry, buf=buf):
            bests, iters, xs = carry
            base = (i + 1) * STRIDE
            new_xs = tuple(buf[pl.ds(base + u * LANES, LANES)]
                           for u in range(UNROLL))
            new_bests, new_iters = [], []
            for u in range(UNROLL):
                m = xs[u] > bests[u]
                new_bests.append(jnp.maximum(bests[u], xs[u]))
                new_iters.append(jnp.where(m, i, iters[u]))
            return tuple(new_bests), tuple(new_iters), new_xs

        bests, iters, _ = body

        best, bidx = None, None
        for u in range(UNROLL):
            idx_u = iters[u] * STRIDE + (u * LANES + iota)
            if best is None:
                best, bidx = bests[u], idx_u
            else:
                best, bidx = _merge(best, bidx, bests[u], idx_u)

        for shift in (8, 4, 2, 1):
            perm = iota ^ shift
            oval = _lane_gather(best, perm)
            oidx = _lane_gather(bidx, perm)
            best, bidx = _merge(best, bidx, oval, oidx)
        res_v[r] = bidx

    pltpu.sync_copy(res_v, out_hbm.at[pl.ds(base_row, ROWS_PER_WORKER)])


@functools.partial(
    pl.kernel,
    out_type=jax.ShapeDtypeStruct((ROWS, LANES), jnp.int32),
    mesh=plsc.VectorSubcoreMesh(core_axis_name="c", subcore_axis_name="s"),
    scratch_types=[
        pltpu.VMEM((COLS + STRIDE,), jnp.float32),
        pltpu.VMEM((COLS + STRIDE,), jnp.float32),
        pltpu.SemaphoreType.DMA,
        pltpu.SemaphoreType.DMA,
        pltpu.VMEM((ROWS_PER_WORKER, LANES), jnp.int32),
    ],
)
def _sc_argmax(logits_hbm, out_hbm, buf0, buf1, sem0, sem1, res_v):
    _argmax_body(logits_hbm, out_hbm, buf0, buf1, sem0, sem1, res_v)


def kernel(logits):
    out = _sc_argmax(logits)
    return out[:, :1]

# --- scband reference (transcript-rebuilt; emitter-appended) ---
"""Pipeline reference for scband-argmax-8091718386198 (READ-ONLY COPY).

The authoritative reference and input builder live on the scoring server;
editing this copy changes nothing except your own understanding.
"""

import jax, jax.numpy as jnp
import numpy as np

def setup_inputs(seed: int = 0) -> dict:
    key = jax.random.key(seed)
    logits = jax.random.normal(key, (128, 32768), dtype=jnp.float32)
    return {"logits": logits}

def reference(logits):
    max_logits_idx = jnp.argmax(logits, axis=-1, keepdims=True)
    return max_logits_idx.astype(jnp.int32)

if __name__ == "__main__":
    import jax
    _d = setup_inputs()
    print(jax.jit(kernel)(*tuple(_d.values())))

</pallas_src>

<mosaic_0001>
#map = affine_map<(d0, d1) -> (0, 0)>
module attributes {stable_mosaic.version = 14 : i64} {
  func.func @_sc_argmax(%arg0: i32, %arg1: i32, %arg2: memref<128x32768xf32, #tpu.memory_space<hbm>>, %arg3: memref<128x16xi32, #tpu.memory_space<hbm>>, %arg4: memref<32896xf32, #tpu.memory_space<vmem>>, %arg5: memref<32896xf32, #tpu.memory_space<vmem>>, %arg6: memref<!tpu.dma_semaphore, #tpu.memory_space<semaphore_mem>>, %arg7: memref<!tpu.dma_semaphore, #tpu.memory_space<semaphore_mem>>, %arg8: memref<4x16xi32, #tpu.memory_space<vmem>>) attributes {dimension_semantics = [#tpu.dimension_semantics<core_parallel>, #tpu.dimension_semantics<subcore_parallel>], iteration_bounds = array<i64: 2, 16>, scalar_prefetch = 0 : i64, scratch_operands = 5 : i64, tpu.core_type = #tpu.core_type<sc_vector_subcore>, window_params = [{transform_indices = #map}, {transform_indices = #map}]} {
    %mul3A = arith.constant 2 : i32
    %mul3A_0 = arith.muli %arg1, %mul3A : i32
    %add3A = arith.addi %mul3A_0, %arg0 : i32
    %mul3A_1 = arith.constant 4 : i32
    %mul3A_2 = arith.muli %add3A, %mul3A_1 : i32
    %dma_start3A = arith.constant 0 : i32
    %dma_start3A_3 = tpu.memref_slice %arg4[%dma_start3A] : memref<32896xf32, #tpu.memory_space<vmem>> -> memref<32768xf32, #tpu.memory_space<vmem>>
    %dma_start3A_4 = arith.constant 0 : i32
    %dma_start3A_5 = tpu.memref_slice %arg2[%mul3A_2, %dma_start3A_4] : memref<128x32768xf32, #tpu.memory_space<hbm>> -> memref<1x32768xf32, #tpu.memory_space<hbm>>
    %dma_start3A_6 = tpu.memref_squeeze %dma_start3A_5 : memref<1x32768xf32, #tpu.memory_space<hbm>> -> memref<32768xf32, #tpu.memory_space<hbm>>
    %dma_start3A_7 = arith.constant 0 : i32
    %dma_start3A_8 = tpu.memref_slice %arg4[%dma_start3A_7] : memref<32896xf32, #tpu.memory_space<vmem>> -> memref<32768xf32, #tpu.memory_space<vmem>>
    %dma_start3A_9 = arith.constant 0 : i32
    %dma_start3A_10 = tpu.memref_slice %arg2[%mul3A_2, %dma_start3A_9] : memref<128x32768xf32, #tpu.memory_space<hbm>> -> memref<1x32768xf32, #tpu.memory_space<hbm>>
    %dma_start3A_11 = tpu.memref_squeeze %dma_start3A_10 : memref<1x32768xf32, #tpu.memory_space<hbm>> -> memref<32768xf32, #tpu.memory_space<hbm>>
    tpu.enqueue_dma source(%dma_start3A_11 : memref<32768xf32, #tpu.memory_space<hbm>>) target(%dma_start3A_8 : memref<32768xf32, #tpu.memory_space<vmem>>) target_semaphore(%arg6 : memref<!tpu.dma_semaphore, #tpu.memory_space<semaphore_mem>>)
    %iota3A = tpu.iota {dimensions = array<i32: 0>} : vector<16xi32>
    %add3A_12 = arith.constant 0 : i32
    %add3A_13 = arith.addi %mul3A_2, %add3A_12 : i32
    %add3A_14 = arith.constant 1 : i32
    %add3A_15 = arith.addi %add3A_13, %add3A_14 : i32
    %dma_start3A_16 = arith.constant 0 : i32
    %dma_start3A_17 = tpu.memref_slice %arg5[%dma_start3A_16] : memref<32896xf32, #tpu.memory_space<vmem>> -> memref<32768xf32, #tpu.memory_space<vmem>>
    %dma_start3A_18 = arith.constant 0 : i32
    %dma_start3A_19 = tpu.memref_slice %arg2[%add3A_15, %dma_start3A_18] : memref<128x32768xf32, #tpu.memory_space<hbm>> -> memref<1x32768xf32, #tpu.memory_space<hbm>>
    %dma_start3A_20 = tpu.memref_squeeze %dma_start3A_19 : memref<1x32768xf32, #tpu.memory_space<hbm>> -> memref<32768xf32, #tpu.memory_space<hbm>>
    %dma_start3A_21 = arith.constant 0 : i32
    %dma_start3A_22 = tpu.memref_slice %arg5[%dma_start3A_21] : memref<32896xf32, #tpu.memory_space<vmem>> -> memref<32768xf32, #tpu.memory_space<vmem>>
    %dma_start3A_23 = arith.constant 0 : i32
    %dma_start3A_24 = tpu.memref_slice %arg2[%add3A_15, %dma_start3A_23] : memref<128x32768xf32, #tpu.memory_space<hbm>> -> memref<1x32768xf32, #tpu.memory_space<hbm>>
    %dma_start3A_25 = tpu.memref_squeeze %dma_start3A_24 : memref<1x32768xf32, #tpu.memory_space<hbm>> -> memref<32768xf32, #tpu.memory_space<hbm>>
    tpu.enqueue_dma source(%dma_start3A_25 : memref<32768xf32, #tpu.memory_space<hbm>>) target(%dma_start3A_22 : memref<32768xf32, #tpu.memory_space<vmem>>) target_semaphore(%arg7 : memref<!tpu.dma_semaphore, #tpu.memory_space<semaphore_mem>>)
    %dma_wait3A = arith.constant 0 : i32
    %dma_wait3A_26 = tpu.memref_slice %arg4[%dma_wait3A] : memref<32896xf32, #tpu.memory_space<vmem>> -> memref<32768xf32, #tpu.memory_space<vmem>>
    %dma_wait3A_27 = arith.constant 0 : i32
    %dma_wait3A_28 = tpu.memref_slice %arg2[%mul3A_2, %dma_wait3A_27] : memref<128x32768xf32, #tpu.memory_space<hbm>> -> memref<1x32768xf32, #tpu.memory_space<hbm>>
    %dma_wait3A_29 = tpu.memref_squeeze %dma_wait3A_28 : memref<1x32768xf32, #tpu.memory_space<hbm>> -> memref<32768xf32, #tpu.memory_space<hbm>>
    %dma_wait3A_30 = arith.constant 0 : i32
    %dma_wait3A_31 = tpu.memref_slice %arg4[%dma_wait3A_30] : memref<32896xf32, #tpu.memory_space<vmem>> -> memref<32768xf32, #tpu.memory_space<vmem>>
    %dma_wait3A_32 = arith.constant 0 : i32
    %dma_wait3A_33 = tpu.memref_slice %arg2[%mul3A_2, %dma_wait3A_32] : memref<128x32768xf32, #tpu.memory_space<hbm>> -> memref<1x32768xf32, #tpu.memory_space<hbm>>
    %dma_wait3A_34 = tpu.memref_squeeze %dma_wait3A_33 : memref<1x32768xf32, #tpu.memory_space<hbm>> -> memref<32768xf32, #tpu.memory_space<hbm>>
    tpu.wait_dma2 semaphore(%arg6 : memref<!tpu.dma_semaphore, #tpu.memory_space<semaphore_mem>>) src(%dma_wait3A_34 : memref<32768xf32, #tpu.memory_space<hbm>>) dst(%dma_wait3A_31 : memref<32768xf32, #tpu.memory_space<vmem>>)
    %get3A = arith.constant 0 : index
    %get3A_35 = tpu.vector_load %arg4[%get3A] {strides = array<i32>} : memref<32896xf32, #tpu.memory_space<vmem>>, vector<16xf32>,
    %get3A_36 = vector.shape_cast %get3A_35 : vector<16xf32> to vector<16xf32>
    %get3A_37 = arith.constant 16 : index
    %get3A_38 = tpu.vector_load %arg4[%get3A_37] {strides = array<i32>} : memref<32896xf32, #tpu.memory_space<vmem>>, vector<16xf32>,
    %get3A_39 = vector.shape_cast %get3A_38 : vector<16xf32> to vector<16xf32>
    %get3A_40 = arith.constant 32 : index
    %get3A_41 = tpu.vector_load %arg4[%get3A_40] {strides = array<i32>} : memref<32896xf32, #tpu.memory_space<vmem>>, vector<16xf32>,
    %get3A_42 = vector.shape_cast %get3A_41 : vector<16xf32> to vector<16xf32>
    %get3A_43 = arith.constant 48 : index
    %get3A_44 = tpu.vector_load %arg4[%get3A_43] {strides = array<i32>} : memref<32896xf32, #tpu.memory_space<vmem>>, vector<16xf32>,
    %get3A_45 = vector.shape_cast %get3A_44 : vector<16xf32> to vector<16xf32>
    %get3A_46 = arith.constant 64 : index
    %get3A_47 = tpu.vector_load %arg4[%get3A_46] {strides = array<i32>} : memref<32896xf32, #tpu.memory_space<vmem>>, vector<16xf32>,
    %get3A_48 = vector.shape_cast %get3A_47 : vector<16xf32> to vector<16xf32>
    %get3A_49 = arith.constant 80 : index
    %get3A_50 = tpu.vector_load %arg4[%get3A_49] {strides = array<i32>} : memref<32896xf32, #tpu.memory_space<vmem>>, vector<16xf32>,
    %get3A_51 = vector.shape_cast %get3A_50 : vector<16xf32> to vector<16xf32>
    %get3A_52 = arith.constant 96 : index
    %get3A_53 = tpu.vector_load %arg4[%get3A_52] {strides = array<i32>} : memref<32896xf32, #tpu.memory_space<vmem>>, vector<16xf32>,
    %get3A_54 = vector.shape_cast %get3A_53 : vector<16xf32> to vector<16xf32>
    %get3A_55 = arith.constant 112 : index
    %get3A_56 = tpu.vector_load %arg4[%get3A_55] {strides = array<i32>} : memref<32896xf32, #tpu.memory_space<vmem>>, vector<16xf32>,
    %get3A_57 = vector.shape_cast %get3A_56 : vector<16xf32> to vector<16xf32>
    %broadcast_in_dim3A = arith.constant 0xFF800000 : f32
    %broadcast_in_dim3A_58 = vector.broadcast %broadcast_in_dim3A : f32 to vector<16xf32>
    %broadcast_in_dim3A_59 = arith.constant 0xFF800000 : f32
    %broadcast_in_dim3A_60 = vector.broadcast %broadcast_in_dim3A_59 : f32 to vector<16xf32>
    %broadcast_in_dim3A_61 = arith.constant 0xFF800000 : f32
    %broadcast_in_dim3A_62 = vector.broadcast %broadcast_in_dim3A_61 : f32 to vector<16xf32>
    %broadcast_in_dim3A_63 = arith.constant 0xFF800000 : f32
    %broadcast_in_dim3A_64 = vector.broadcast %broadcast_in_dim3A_63 : f32 to vector<16xf32>
    %broadcast_in_dim3A_65 = arith.constant 0xFF800000 : f32
    %broadcast_in_dim3A_66 = vector.broadcast %broadcast_in_dim3A_65 : f32 to vector<16xf32>
    %broadcast_in_dim3A_67 = arith.constant 0xFF800000 : f32
    %broadcast_in_dim3A_68 = vector.broadcast %broadcast_in_dim3A_67 : f32 to vector<16xf32>
    %broadcast_in_dim3A_69 = arith.constant 0xFF800000 : f32
    %broadcast_in_dim3A_70 = vector.broadcast %broadcast_in_dim3A_69 : f32 to vector<16xf32>
    %broadcast_in_dim3A_71 = arith.constant 0xFF800000 : f32
    %broadcast_in_dim3A_72 = vector.broadcast %broadcast_in_dim3A_71 : f32 to vector<16xf32>
    %parallel_loop3A = arith.constant 0 : i32
    %parallel_loop3A_73 = arith.constant 256 : i32
    %parallel_loop3A_74 = arith.constant 1 : i32
    %parallel_loop3A_75:24 = scf.for %parallel_loop3A_957 = %parallel_loop3A to %parallel_loop3A_73 step %parallel_loop3A_74 iter_args(%parallel_loop3A_958 = %broadcast_in_dim3A_58, %parallel_loop3A_959 = %broadcast_in_dim3A_60, %parallel_loop3A_960 = %broadcast_in_dim3A_62, %parallel_loop3A_961 = %broadcast_in_dim3A_64, %parallel_loop3A_962 = %broadcast_in_dim3A_66, %parallel_loop3A_963 = %broadcast_in_dim3A_68, %parallel_loop3A_964 = %broadcast_in_dim3A_70, %parallel_loop3A_965 = %broadcast_in_dim3A_72, %parallel_loop3A_966 = %iota3A, %parallel_loop3A_967 = %iota3A, %parallel_loop3A_968 = %iota3A, %parallel_loop3A_969 = %iota3A, %parallel_loop3A_970 = %iota3A, %parallel_loop3A_971 = %iota3A, %parallel_loop3A_972 = %iota3A, %parallel_loop3A_973 = %iota3A, %parallel_loop3A_974 = %get3A_36, %parallel_loop3A_975 = %get3A_39, %parallel_loop3A_976 = %get3A_42, %parallel_loop3A_977 = %get3A_45, %parallel_loop3A_978 = %get3A_48, %parallel_loop3A_979 = %get3A_51, %parallel_loop3A_980 = %get3A_54, %parallel_loop3A_981 = %get3A_57) -> (vector<16xf32>, vector<16xf32>, vector<16xf32>, vector<16xf32>, vector<16xf32>, vector<16xf32>, vector<16xf32>, vector<16xf32>, vector<16xi32>, vector<16xi32>, vector<16xi32>, vector<16xi32>, vector<16xi32>, vector<16xi32>, vector<16xi32>, vector<16xi32>, vector<16xf32>, vector<16xf32>, vector<16xf32>, vector<16xf32>, vector<16xf32>, vector<16xf32>, vector<16xf32>, vector<16xf32>)  : i32 {
      %parallel_loop3A_982 = arith.constant 1 : i32
      %parallel_loop3A_983 = arith.addi %parallel_loop3A_957, %parallel_loop3A_982 : i32
      %parallel_loop3A_984 = arith.constant 128 : i32
      %parallel_loop3A_985 = arith.muli %parallel_loop3A_983, %parallel_loop3A_984 : i32
      %parallel_loop3A_986 = arith.constant 0 : i32
      %parallel_loop3A_987 = arith.addi %parallel_loop3A_985, %parallel_loop3A_986 : i32
      %parallel_loop3A_988 = arith.index_cast %parallel_loop3A_987 : i32 to index
      %parallel_loop3A_989 = tpu.vector_load %arg4[%parallel_loop3A_988] {strides = array<i32>} : memref<32896xf32, #tpu.memory_space<vmem>>, vector<16xf32>,
      %parallel_loop3A_990 = vector.shape_cast %parallel_loop3A_989 : vector<16xf32> to vector<16xf32>
      %parallel_loop3A_991 = arith.constant 16 : i32
      %parallel_loop3A_992 = arith.addi %parallel_loop3A_985, %parallel_loop3A_991 : i32
      %parallel_loop3A_993 = arith.index_cast %parallel_loop3A_992 : i32 to index
      %parallel_loop3A_994 = tpu.vector_load %arg4[%parallel_loop3A_993] {strides = array<i32>} : memref<32896xf32, #tpu.memory_space<vmem>>, vector<16xf32>,
      %parallel_loop3A_995 = vector.shape_cast %parallel_loop3A_994 : vector<16xf32> to vector<16xf32>
      %parallel_loop3A_996 = arith.constant 32 : i32
      %parallel_loop3A_997 = arith.addi %parallel_loop3A_985, %parallel_loop3A_996 : i32
      %parallel_loop3A_998 = arith.index_cast %parallel_loop3A_997 : i32 to index
      %parallel_loop3A_999 = tpu.vector_load %arg4[%parallel_loop3A_998] {strides = array<i32>} : memref<32896xf32, #tpu.memory_space<vmem>>, vector<16xf32>,
      %parallel_loop3A_1000 = vector.shape_cast %parallel_loop3A_999 : vector<16xf32> to vector<16xf32>
      %parallel_loop3A_1001 = arith.constant 48 : i32
      %parallel_loop3A_1002 = arith.addi %parallel_loop3A_985, %parallel_loop3A_1001 : i32
      %parallel_loop3A_1003 = arith.index_cast %parallel_loop3A_1002 : i32 to index
      %parallel_loop3A_1004 = tpu.vector_load %arg4[%parallel_loop3A_1003] {strides = array<i32>} : memref<32896xf32, #tpu.memory_space<vmem>>, vector<16xf32>,
      %parallel_loop3A_1005 = vector.shape_cast %parallel_loop3A_1004 : vector<16xf32> to vector<16xf32>
      %parallel_loop3A_1006 = arith.constant 64 : i32
      %parallel_loop3A_1007 = arith.addi %parallel_loop3A_985, %parallel_loop3A_1006 : i32
      %parallel_loop3A_1008 = arith.index_cast %parallel_loop3A_1007 : i32 to index
      %parallel_loop3A_1009 = tpu.vector_load %arg4[%parallel_loop3A_1008] {strides = array<i32>} : memref<32896xf32, #tpu.memory_space<vmem>>, vector<16xf32>,
      %parallel_loop3A_1010 = vector.shape_cast %parallel_loop3A_1009 : vector<16xf32> to vector<16xf32>
      %parallel_loop3A_1011 = arith.constant 80 : i32
      %parallel_loop3A_1012 = arith.addi %parallel_loop3A_985, %parallel_loop3A_1011 : i32
      %parallel_loop3A_1013 = arith.index_cast %parallel_loop3A_1012 : i32 to index
      %parallel_loop3A_1014 = tpu.vector_load %arg4[%parallel_loop3A_1013] {strides = array<i32>} : memref<32896xf32, #tpu.memory_space<vmem>>, vector<16xf32>,
      %parallel_loop3A_1015 = vector.shape_cast %parallel_loop3A_1014 : vector<16xf32> to vector<16xf32>
      %parallel_loop3A_1016 = arith.constant 96 : i32
      %parallel_loop3A_1017 = arith.addi %parallel_loop3A_985, %parallel_loop3A_1016 : i32
      %parallel_loop3A_1018 = arith.index_cast %parallel_loop3A_1017 : i32 to index
      %parallel_loop3A_1019 = tpu.vector_load %arg4[%parallel_loop3A_1018] {strides = array<i32>} : memref<32896xf32, #tpu.memory_space<vmem>>, vector<16xf32>,
      %parallel_loop3A_1020 = vector.shape_cast %parallel_loop3A_1019 : vector<16xf32> to vector<16xf32>
      %parallel_loop3A_1021 = arith.constant 112 : i32
      %parallel_loop3A_1022 = arith.addi %parallel_loop3A_985, %parallel_loop3A_1021 : i32
      %parallel_loop3A_1023 = arith.index_cast %parallel_loop3A_1022 : i32 to index
      %parallel_loop3A_1024 = tpu.vector_load %arg4[%parallel_loop3A_1023] {strides = array<i32>} : memref<32896xf32, #tpu.memory_space<vmem>>, vector<16xf32>,
      %parallel_loop3A_1025 = vector.shape_cast %parallel_loop3A_1024 : vector<16xf32> to vector<16xf32>
      %parallel_loop3A_1026 = arith.cmpf ogt, %parallel_loop3A_974, %parallel_loop3A_958 : vector<16xf32>
      %parallel_loop3A_1027 = arith.maximumf %parallel_loop3A_958, %parallel_loop3A_974 : vector<16xf32>
      %parallel_loop3A_1028 = vector.broadcast %parallel_loop3A_957 : i32 to vector<16xi32>
      %parallel_loop3A_1029 = arith.select %parallel_loop3A_1026, %parallel_loop3A_1028, %parallel_loop3A_966 : vector<16xi1>, vector<16xi32>
      %parallel_loop3A_1030 = arith.cmpf ogt, %parallel_loop3A_975, %parallel_loop3A_959 : vector<16xf32>
      %parallel_loop3A_1031 = arith.maximumf %parallel_loop3A_959, %parallel_loop3A_975 : vector<16xf32>
      %parallel_loop3A_1032 = vector.broadcast %parallel_loop3A_957 : i32 to vector<16xi32>
      %parallel_loop3A_1033 = arith.select %parallel_loop3A_1030, %parallel_loop3A_1032, %parallel_loop3A_967 : vector<16xi1>, vector<16xi32>
      %parallel_loop3A_1034 = arith.cmpf ogt, %parallel_loop3A_976, %parallel_loop3A_960 : vector<16xf32>
      %parallel_loop3A_1035 = arith.maximumf %parallel_loop3A_960, %parallel_loop3A_976 : vector<16xf32>
      %parallel_loop3A_1036 = vector.broadcast %parallel_loop3A_957 : i32 to vector<16xi32>
      %parallel_loop3A_1037 = arith.select %parallel_loop3A_1034, %parallel_loop3A_1036, %parallel_loop3A_968 : vector<16xi1>, vector<16xi32>
      %parallel_loop3A_1038 = arith.cmpf ogt, %parallel_loop3A_977, %parallel_loop3A_961 : vector<16xf32>
      %parallel_loop3A_1039 = arith.maximumf %parallel_loop3A_961, %parallel_loop3A_977 : vector<16xf32>
      %parallel_loop3A_1040 = vector.broadcast %parallel_loop3A_957 : i32 to vector<16xi32>
      %parallel_loop3A_1041 = arith.select %parallel_loop3A_1038, %parallel_loop3A_1040, %parallel_loop3A_969 : vector<16xi1>, vector<16xi32>
      %parallel_loop3A_1042 = arith.cmpf ogt, %parallel_loop3A_978, %parallel_loop3A_962 : vector<16xf32>
      %parallel_loop3A_1043 = arith.maximumf %parallel_loop3A_962, %parallel_loop3A_978 : vector<16xf32>
      %parallel_loop3A_1044 = vector.broadcast %parallel_loop3A_957 : i32 to vector<16xi32>
      %parallel_loop3A_1045 = arith.select %parallel_loop3A_1042, %parallel_loop3A_1044, %parallel_loop3A_970 : vector<16xi1>, vector<16xi32>
      %parallel_loop3A_1046 = arith.cmpf ogt, %parallel_loop3A_979, %parallel_loop3A_963 : vector<16xf32>
      %parallel_loop3A_1047 = arith.maximumf %parallel_loop3A_963, %parallel_loop3A_979 : vector<16xf32>
      %parallel_loop3A_1048 = vector.broadcast %parallel_loop3A_957 : i32 to vector<16xi32>
      %parallel_loop3A_1049 = arith.select %parallel_loop3A_1046, %parallel_loop3A_1048, %parallel_loop3A_971 : vector<16xi1>, vector<16xi32>
      %parallel_loop3A_1050 = arith.cmpf ogt, %parallel_loop3A_980, %parallel_loop3A_964 : vector<16xf32>
      %parallel_loop3A_1051 = arith.maximumf %parallel_loop3A_964, %parallel_loop3A_980 : vector<16xf32>
      %parallel_loop3A_1052 = vector.broadcast %parallel_loop3A_957 : i32 to vector<16xi32>
      %parallel_loop3A_1053 = arith.select %parallel_loop3A_1050, %parallel_loop3A_1052, %parallel_loop3A_972 : vector<16xi1>, vector<16xi32>
      %parallel_loop3A_1054 = arith.cmpf ogt, %parallel_loop3A_981, %parallel_loop3A_965 : vector<16xf32>
      %parallel_loop3A_1055 = arith.maximumf %parallel_loop3A_965, %parallel_loop3A_981 : vector<16xf32>
      %parallel_loop3A_1056 = vector.broadcast %parallel_loop3A_957 : i32 to vector<16xi32>
      %parallel_loop3A_1057 = arith.select %parallel_loop3A_1054, %parallel_loop3A_1056, %parallel_loop3A_973 : vector<16xi1>, vector<16xi32>
      scf.yield %parallel_loop3A_1027, %parallel_loop3A_1031, %parallel_loop3A_1035, %parallel_loop3A_1039, %parallel_loop3A_1043, %parallel_loop3A_1047, %parallel_loop3A_1051, %parallel_loop3A_1055, %parallel_loop3A_1029, %parallel_loop3A_1033, %parallel_loop3A_1037, %parallel_loop3A_1041, %parallel_loop3A_1045, %parallel_loop3A_1049, %parallel_loop3A_1053, %parallel_loop3A_1057, %parallel_loop3A_990, %parallel_loop3A_995, %parallel_loop3A_1000, %parallel_loop3A_1005, %parallel_loop3A_1010, %parallel_loop3A_1015, %parallel_loop3A_1020, %parallel_loop3A_1025 : vector<16xf32>, vector<16xf32>, vector<16xf32>, vector<16xf32>, vector<16xf32>, vector<16xf32>, vector<16xf32>, vector<16xf32>, vector<16xi32>, vector<16xi32>, vector<16xi32>, vector<16xi32>, vector<16xi32>, vector<16xi32>, vector<16xi32>, vector<16xi32>, vector<16xf32>, vector<16xf32>, vector<16xf32>, vector<16xf32>, vector<16xf32>, vector<16xf32>, vector<16xf32>, vector<16xf32>
    } {sc.loop_unroll_factor = 1 : i64, sc.parallel_access}
    %mul3A_76 = arith.constant 128 : i32
    %mul3A_77 = vector.broadcast %mul3A_76 : i32 to vector<16xi32>
    %mul3A_78 = arith.muli %parallel_loop3A_75#8, %mul3A_77 : vector<16xi32>
    %add3A_79 = arith.constant 0 : i32
    %add3A_80 = vector.broadcast %add3A_79 : i32 to vector<16xi32>
    %add3A_81 = arith.addi %add3A_80, %iota3A : vector<16xi32>
    %add3A_82 = arith.addi %mul3A_78, %add3A_81 : vector<16xi32>
    %mul3A_83 = arith.constant 128 : i32
    %mul3A_84 = vector.broadcast %mul3A_83 : i32 to vector<16xi32>
    %mul3A_85 = arith.muli %parallel_loop3A_75#9, %mul3A_84 : vector<16xi32>
    %add3A_86 = arith.constant 16 : i32
    %add3A_87 = vector.broadcast %add3A_86 : i32 to vector<16xi32>
    %add3A_88 = arith.addi %add3A_87, %iota3A : vector<16xi32>
    %add3A_89 = arith.addi %mul3A_85, %add3A_88 : vector<16xi32>
    %gt3A = arith.cmpf ogt, %parallel_loop3A_75#1, %parallel_loop3A_75#0 : vector<16xf32>
    %eq3A = arith.cmpf oeq, %parallel_loop3A_75#1, %parallel_loop3A_75#0 : vector<16xf32>
    %lt3A = arith.cmpi slt, %add3A_89, %add3A_82 : vector<16xi32>
    %and3A = arith.andi %eq3A, %lt3A : vector<16xi1>
    %or3A = arith.ori %gt3A, %and3A : vector<16xi1>
    %select_n3A = arith.select %or3A, %parallel_loop3A_75#1, %parallel_loop3A_75#0 : vector<16xi1>, vector<16xf32>
    %select_n3A_90 = arith.select %or3A, %add3A_89, %add3A_82 : vector<16xi1>, vector<16xi32>
    %mul3A_91 = arith.constant 128 : i32
    %mul3A_92 = vector.broadcast %mul3A_91 : i32 to vector<16xi32>
    %mul3A_93 = arith.muli %parallel_loop3A_75#10, %mul3A_92 : vector<16xi32>
    %add3A_94 = arith.constant 32 : i32
    %add3A_95 = vector.broadcast %add3A_94 : i32 to vector<16xi32>
    %add3A_96 = arith.addi %add3A_95, %iota3A : vector<16xi32>
    %add3A_97 = arith.addi %mul3A_93, %add3A_96 : vector<16xi32>
    %gt3A_98 = arith.cmpf ogt, %parallel_loop3A_75#2, %select_n3A : vector<16xf32>
    %eq3A_99 = arith.cmpf oeq, %parallel_loop3A_75#2, %select_n3A : vector<16xf32>
    %lt3A_100 = arith.cmpi slt, %add3A_97, %select_n3A_90 : vector<16xi32>
    %and3A_101 = arith.andi %eq3A_99, %lt3A_100 : vector<16xi1>
    %or3A_102 = arith.ori %gt3A_98, %and3A_101 : vector<16xi1>
    %select_n3A_103 = arith.select %or3A_102, %parallel_loop3A_75#2, %select_n3A : vector<16xi1>, vector<16xf32>
    %select_n3A_104 = arith.select %or3A_102, %add3A_97, %select_n3A_90 : vector<16xi1>, vector<16xi32>
    %mul3A_105 = arith.constant 128 : i32
    %mul3A_106 = vector.broadcast %mul3A_105 : i32 to vector<16xi32>
    %mul3A_107 = arith.muli %parallel_loop3A_75#11, %mul3A_106 : vector<16xi32>
    %add3A_108 = arith.constant 48 : i32
    %add3A_109 = vector.broadcast %add3A_108 : i32 to vector<16xi32>
    %add3A_110 = arith.addi %add3A_109, %iota3A : vector<16xi32>
    %add3A_111 = arith.addi %mul3A_107, %add3A_110 : vector<16xi32>
    %gt3A_112 = arith.cmpf ogt, %parallel_loop3A_75#3, %select_n3A_103 : vector<16xf32>
    %eq3A_113 = arith.cmpf oeq, %parallel_loop3A_75#3, %select_n3A_103 : vector<16xf32>
    %lt3A_114 = arith.cmpi slt, %add3A_111, %select_n3A_104 : vector<16xi32>
    %and3A_115 = arith.andi %eq3A_113, %lt3A_114 : vector<16xi1>
    %or3A_116 = arith.ori %gt3A_112, %and3A_115 : vector<16xi1>
    %select_n3A_117 = arith.select %or3A_116, %parallel_loop3A_75#3, %select_n3A_103 : vector<16xi1>, vector<16xf32>
    %select_n3A_118 = arith.select %or3A_116, %add3A_111, %select_n3A_104 : vector<16xi1>, vector<16xi32>
    %mul3A_119 = arith.constant 128 : i32
    %mul3A_120 = vector.broadcast %mul3A_119 : i32 to vector<16xi32>
    %mul3A_121 = arith.muli %parallel_loop3A_75#12, %mul3A_120 : vector<16xi32>
    %add3A_122 = arith.constant 64 : i32
    %add3A_123 = vector.broadcast %add3A_122 : i32 to vector<16xi32>
    %add3A_124 = arith.addi %add3A_123, %iota3A : vector<16xi32>
    %add3A_125 = arith.addi %mul3A_121, %add3A_124 : vector<16xi32>
    %gt3A_126 = arith.cmpf ogt, %parallel_loop3A_75#4, %select_n3A_117 : vector<16xf32>
    %eq3A_127 = arith.cmpf oeq, %parallel_loop3A_75#4, %select_n3A_117 : vector<16xf32>
    %lt3A_128 = arith.cmpi slt, %add3A_125, %select_n3A_118 : vector<16xi32>
    %and3A_129 = arith.andi %eq3A_127, %lt3A_128 : vector<16xi1>
    %or3A_130 = arith.ori %gt3A_126, %and3A_129 : vector<16xi1>
    %select_n3A_131 = arith.select %or3A_130, %parallel_loop3A_75#4, %select_n3A_117 : vector<16xi1>, vector<16xf32>
    %select_n3A_132 = arith.select %or3A_130, %add3A_125, %select_n3A_118 : vector<16xi1>, vector<16xi32>
    %mul3A_133 = arith.constant 128 : i32
    %mul3A_134 = vector.broadcast %mul3A_133 : i32 to vector<16xi32>
    %mul3A_135 = arith.muli %parallel_loop3A_75#13, %mul3A_134 : vector<16xi32>
    %add3A_136 = arith.constant 80 : i32
    %add3A_137 = vector.broadcast %add3A_136 : i32 to vector<16xi32>
    %add3A_138 = arith.addi %add3A_137, %iota3A : vector<16xi32>
    %add3A_139 = arith.addi %mul3A_135, %add3A_138 : vector<16xi32>
    %gt3A_140 = arith.cmpf ogt, %parallel_loop3A_75#5, %select_n3A_131 : vector<16xf32>
    %eq3A_141 = arith.cmpf oeq, %parallel_loop3A_75#5, %select_n3A_131 : vector<16xf32>
    %lt3A_142 = arith.cmpi slt, %add3A_139, %select_n3A_132 : vector<16xi32>
    %and3A_143 = arith.andi %eq3A_141, %lt3A_142 : vector<16xi1>
    %or3A_144 = arith.ori %gt3A_140, %and3A_143 : vector<16xi1>
    %select_n3A_145 = arith.select %or3A_144, %parallel_loop3A_75#5, %select_n3A_131 : vector<16xi1>, vector<16xf32>
    %select_n3A_146 = arith.select %or3A_144, %add3A_139, %select_n3A_132 : vector<16xi1>, vector<16xi32>
    %mul3A_147 = arith.constant 128 : i32
    %mul3A_148 = vector.broadcast %mul3A_147 : i32 to vector<16xi32>
    %mul3A_149 = arith.muli %parallel_loop3A_75#14, %mul3A_148 : vector<16xi32>
    %add3A_150 = arith.constant 96 : i32
    %add3A_151 = vector.broadcast %add3A_150 : i32 to vector<16xi32>
    %add3A_152 = arith.addi %add3A_151, %iota3A : vector<16xi32>
    %add3A_153 = arith.addi %mul3A_149, %add3A_152 : vector<16xi32>
    %gt3A_154 = arith.cmpf ogt, %parallel_loop3A_75#6, %select_n3A_145 : vector<16xf32>
    %eq3A_155 = arith.cmpf oeq, %parallel_loop3A_75#6, %select_n3A_145 : vector<16xf32>
    %lt3A_156 = arith.cmpi slt, %add3A_153, %select_n3A_146 : vector<16xi32>
    %and3A_157 = arith.andi %eq3A_155, %lt3A_156 : vector<16xi1>
    %or3A_158 = arith.ori %gt3A_154, %and3A_157 : vector<16xi1>
    %select_n3A_159 = arith.select %or3A_158, %parallel_loop3A_75#6, %select_n3A_145 : vector<16xi1>, vector<16xf32>
    %select_n3A_160 = arith.select %or3A_158, %add3A_153, %select_n3A_146 : vector<16xi1>, vector<16xi32>
    %mul3A_161 = arith.constant 128 : i32
    %mul3A_162 = vector.broadcast %mul3A_161 : i32 to vector<16xi32>
    %mul3A_163 = arith.muli %parallel_loop3A_75#15, %mul3A_162 : vector<16xi32>
    %add3A_164 = arith.constant 112 : i32
    %add3A_165 = vector.broadcast %add3A_164 : i32 to vector<16xi32>
    %add3A_166 = arith.addi %add3A_165, %iota3A : vector<16xi32>
    %add3A_167 = arith.addi %mul3A_163, %add3A_166 : vector<16xi32>
    %gt3A_168 = arith.cmpf ogt, %parallel_loop3A_75#7, %select_n3A_159 : vector<16xf32>
    %eq3A_169 = arith.cmpf oeq, %parallel_loop3A_75#7, %select_n3A_159 : vector<16xf32>
    %lt3A_170 = arith.cmpi slt, %add3A_167, %select_n3A_160 : vector<16xi32>
    %and3A_171 = arith.andi %eq3A_169, %lt3A_170 : vector<16xi1>
    %or3A_172 = arith.ori %gt3A_168, %and3A_171 : vector<16xi1>
    %select_n3A_173 = arith.select %or3A_172, %parallel_loop3A_75#7, %select_n3A_159 : vector<16xi1>, vector<16xf32>
    %select_n3A_174 = arith.select %or3A_172, %add3A_167, %select_n3A_160 : vector<16xi1>, vector<16xi32>
    %xor3A = arith.constant 8 : i32
    %xor3A_175 = vector.broadcast %xor3A : i32 to vector<16xi32>
    %xor3A_176 = arith.xori %iota3A, %xor3A_175 : vector<16xi32>
    %broadcast_in_dim3A_177 = vector.shape_cast %xor3A_176 : vector<16xi32> to vector<16x1xi32>
    %gather3A = vector.shape_cast %broadcast_in_dim3A_177 : vector<16x1xi32> to vector<16xi32>
    %gather3A_178 = tpu.dynamic_gather %select_n3A_173[%gather3A] in [0] : vector<16xf32>, vector<16xi32> -> vector<16xf32>
    %broadcast_in_dim3A_179 = vector.shape_cast %xor3A_176 : vector<16xi32> to vector<16x1xi32>
    %gather3A_180 = vector.shape_cast %broadcast_in_dim3A_179 : vector<16x1xi32> to vector<16xi32>
    %gather3A_181 = tpu.dynamic_gather %select_n3A_174[%gather3A_180] in [0] : vector<16xi32>, vector<16xi32> -> vector<16xi32>
    %gt3A_182 = arith.cmpf ogt, %gather3A_178, %select_n3A_173 : vector<16xf32>
    %eq3A_183 = arith.cmpf oeq, %gather3A_178, %select_n3A_173 : vector<16xf32>
    %lt3A_184 = arith.cmpi slt, %gather3A_181, %select_n3A_174 : vector<16xi32>
    %and3A_185 = arith.andi %eq3A_183, %lt3A_184 : vector<16xi1>
    %or3A_186 = arith.ori %gt3A_182, %and3A_185 : vector<16xi1>
    %select_n3A_187 = arith.select %or3A_186, %gather3A_178, %select_n3A_173 : vector<16xi1>, vector<16xf32>
    %select_n3A_188 = arith.select %or3A_186, %gather3A_181, %select_n3A_174 : vector<16xi1>, vector<16xi32>
    %xor3A_189 = arith.constant 4 : i32
    %xor3A_190 = vector.broadcast %xor3A_189 : i32 to vector<16xi32>
    %xor3A_191 = arith.xori %iota3A, %xor3A_190 : vector<16xi32>
    %broadcast_in_dim3A_192 = vector.shape_cast %xor3A_191 : vector<16xi32> to vector<16x1xi32>
    %gather3A_193 = vector.shape_cast %broadcast_in_dim3A_192 : vector<16x1xi32> to vector<16xi32>
    %gather3A_194 = tpu.dynamic_gather %select_n3A_187[%gather3A_193] in [0] : vector<16xf32>, vector<16xi32> -> vector<16xf32>
    %broadcast_in_dim3A_195 = vector.shape_cast %xor3A_191 : vector<16xi32> to vector<16x1xi32>
    %gather3A_196 = vector.shape_cast %broadcast_in_dim3A_195 : vector<16x1xi32> to vector<16xi32>
    %gather3A_197 = tpu.dynamic_gather %select_n3A_188[%gather3A_196] in [0] : vector<16xi32>, vector<16xi32> -> vector<16xi32>
    %gt3A_198 = arith.cmpf ogt, %gather3A_194, %select_n3A_187 : vector<16xf32>
    %eq3A_199 = arith.cmpf oeq, %gather3A_194, %select_n3A_187 : vector<16xf32>
    %lt3A_200 = arith.cmpi slt, %gather3A_197, %select_n3A_188 : vector<16xi32>
    %and3A_201 = arith.andi %eq3A_199, %lt3A_200 : vector<16xi1>
    %or3A_202 = arith.ori %gt3A_198, %and3A_201 : vector<16xi1>
    %select_n3A_203 = arith.select %or3A_202, %gather3A_194, %select_n3A_187 : vector<16xi1>, vector<16xf32>
    %select_n3A_204 = arith.select %or3A_202, %gather3A_197, %select_n3A_188 : vector<16xi1>, vector<16xi32>
    %xor3A_205 = arith.constant 2 : i32
    %xor3A_206 = vector.broadcast %xor3A_205 : i32 to vector<16xi32>
    %xor3A_207 = arith.xori %iota3A, %xor3A_206 : vector<16xi32>
    %broadcast_in_dim3A_208 = vector.shape_cast %xor3A_207 : vector<16xi32> to vector<16x1xi32>
    %gather3A_209 = vector.shape_cast %broadcast_in_dim3A_208 : vector<16x1xi32> to vector<16xi32>
    %gather3A_210 = tpu.dynamic_gather %select_n3A_203[%gather3A_209] in [0] : vector<16xf32>, vector<16xi32> -> vector<16xf32>
    %broadcast_in_dim3A_211 = vector.shape_cast %xor3A_207 : vector<16xi32> to vector<16x1xi32>
    %gather3A_212 = vector.shape_cast %broadcast_in_dim3A_211 : vector<16x1xi32> to vector<16xi32>
    %gather3A_213 = tpu.dynamic_gather %select_n3A_204[%gather3A_212] in [0] : vector<16xi32>, vector<16xi32> -> vector<16xi32>
    %gt3A_214 = arith.cmpf ogt, %gather3A_210, %select_n3A_203 : vector<16xf32>
    %eq3A_215 = arith.cmpf oeq, %gather3A_210, %select_n3A_203 : vector<16xf32>
    %lt3A_216 = arith.cmpi slt, %gather3A_213, %select_n3A_204 : vector<16xi32>
    %and3A_217 = arith.andi %eq3A_215, %lt3A_216 : vector<16xi1>
    %or3A_218 = arith.ori %gt3A_214, %and3A_217 : vector<16xi1>
    %select_n3A_219 = arith.select %or3A_218, %gather3A_210, %select_n3A_203 : vector<16xi1>, vector<16xf32>
    %select_n3A_220 = arith.select %or3A_218, %gather3A_213, %select_n3A_204 : vector<16xi1>, vector<16xi32>
    %xor3A_221 = arith.constant 1 : i32
    %xor3A_222 = vector.broadcast %xor3A_221 : i32 to vector<16xi32>
    %xor3A_223 = arith.xori %iota3A, %xor3A_222 : vector<16xi32>
    %broadcast_in_dim3A_224 = vector.shape_cast %xor3A_223 : vector<16xi32> to vector<16x1xi32>
    %gather3A_225 = vector.shape_cast %broadcast_in_dim3A_224 : vector<16x1xi32> to vector<16xi32>
    %gather3A_226 = tpu.dynamic_gather %select_n3A_219[%gather3A_225] in [0] : vector<16xf32>, vector<16xi32> -> vector<16xf32>
    %broadcast_in_dim3A_227 = vector.shape_cast %xor3A_223 : vector<16xi32> to vector<16x1xi32>
    %gather3A_228 = vector.shape_cast %broadcast_in_dim3A_227 : vector<16x1xi32> to vector<16xi32>
    %gather3A_229 = tpu.dynamic_gather %select_n3A_220[%gather3A_228] in [0] : vector<16xi32>, vector<16xi32> -> vector<16xi32>
    %gt3A_230 = arith.cmpf ogt, %gather3A_226, %select_n3A_219 : vector<16xf32>
    %eq3A_231 = arith.cmpf oeq, %gather3A_226, %select_n3A_219 : vector<16xf32>
    %lt3A_232 = arith.cmpi slt, %gather3A_229, %select_n3A_220 : vector<16xi32>
    %and3A_233 = arith.andi %eq3A_231, %lt3A_232 : vector<16xi1>
    %or3A_234 = arith.ori %gt3A_230, %and3A_233 : vector<16xi1>
    %select_n3A_235 = arith.select %or3A_234, %gather3A_226, %select_n3A_219 : vector<16xi1>, vector<16xf32>
    %select_n3A_236 = arith.select %or3A_234, %gather3A_229, %select_n3A_220 : vector<16xi1>, vector<16xi32>
    %swap3A = arith.constant 0 : i32
    %swap3A_237 = arith.index_cast %swap3A : i32 to index
    %swap3A_238 = arith.constant 0 : index
    %swap3A_239 = tpu.vector_load %arg8[%swap3A_237, %swap3A_238] {strides = array<i32>} : memref<4x16xi32, #tpu.memory_space<vmem>>, vector<1x16xi32>,
    %swap3A_240 = vector.shape_cast %swap3A_239 : vector<1x16xi32> to vector<16xi32>
    %swap3A_241 = vector.shape_cast %select_n3A_236 : vector<16xi32> to vector<1x16xi32>
    tpu.vector_store %arg8[%swap3A_237, %swap3A_238], %swap3A_241 {strides = array<i32>} : memref<4x16xi32, #tpu.memory_space<vmem>>, vector<1x16xi32>,
    %add3A_242 = arith.constant 1 : i32
    %add3A_243 = arith.addi %mul3A_2, %add3A_242 : i32
    %add3A_244 = arith.constant 1 : i32
    %add3A_245 = arith.addi %add3A_243, %add3A_244 : i32
    %dma_start3A_246 = arith.constant 0 : i32
    %dma_start3A_247 = tpu.memref_slice %arg4[%dma_start3A_246] : memref<32896xf32, #tpu.memory_space<vmem>> -> memref<32768xf32, #tpu.memory_space<vmem>>
    %dma_start3A_248 = arith.constant 0 : i32
    %dma_start3A_249 = tpu.memref_slice %arg2[%add3A_245, %dma_start3A_248] : memref<128x32768xf32, #tpu.memory_space<hbm>> -> memref<1x32768xf32, #tpu.memory_space<hbm>>
    %dma_start3A_250 = tpu.memref_squeeze %dma_start3A_249 : memref<1x32768xf32, #tpu.memory_space<hbm>> -> memref<32768xf32, #tpu.memory_space<hbm>>
    %dma_start3A_251 = arith.constant 0 : i32
    %dma_start3A_252 = tpu.memref_slice %arg4[%dma_start3A_251] : memref<32896xf32, #tpu.memory_space<vmem>> -> memref<32768xf32, #tpu.memory_space<vmem>>
    %dma_start3A_253 = arith.constant 0 : i32
    %dma_start3A_254 = tpu.memref_slice %arg2[%add3A_245, %dma_start3A_253] : memref<128x32768xf32, #tpu.memory_space<hbm>> -> memref<1x32768xf32, #tpu.memory_space<hbm>>
    %dma_start3A_255 = tpu.memref_squeeze %dma_start3A_254 : memref<1x32768xf32, #tpu.memory_space<hbm>> -> memref<32768xf32, #tpu.memory_space<hbm>>
    tpu.enqueue_dma source(%dma_start3A_255 : memref<32768xf32, #tpu.memory_space<hbm>>) target(%dma_start3A_252 : memref<32768xf32, #tpu.memory_space<vmem>>) target_semaphore(%arg6 : memref<!tpu.dma_semaphore, #tpu.memory_space<semaphore_mem>>)
    %dma_wait3A_256 = arith.constant 0 : i32
    %dma_wait3A_257 = tpu.memref_slice %arg5[%dma_wait3A_256] : memref<32896xf32, #tpu.memory_space<vmem>> -> memref<32768xf32, #tpu.memory_space<vmem>>
    %dma_wait3A_258 = arith.constant 0 : i32
    %dma_wait3A_259 = tpu.memref_slice %arg2[%add3A_15, %dma_wait3A_258] : memref<128x32768xf32, #tpu.memory_space<hbm>> -> memref<1x32768xf32, #tpu.memory_space<hbm>>
    %dma_wait3A_260 = tpu.memref_squeeze %dma_wait3A_259 : memref<1x32768xf32, #tpu.memory_space<hbm>> -> memref<32768xf32, #tpu.memory_space<hbm>>
    %dma_wait3A_261 = arith.constant 0 : i32
    %dma_wait3A_262 = tpu.memref_slice %arg5[%dma_wait3A_261] : memref<32896xf32, #tpu.memory_space<vmem>> -> memref<32768xf32, #tpu.memory_space<vmem>>
    %dma_wait3A_263 = arith.constant 0 : i32
    %dma_wait3A_264 = tpu.memref_slice %arg2[%add3A_15, %dma_wait3A_263] : memref<128x32768xf32, #tpu.memory_space<hbm>> -> memref<1x32768xf32, #tpu.memory_space<hbm>>
    %dma_wait3A_265 = tpu.memref_squeeze %dma_wait3A_264 : memref<1x32768xf32, #tpu.memory_space<hbm>> -> memref<32768xf32, #tpu.memory_space<hbm>>
    tpu.wait_dma2 semaphore(%arg7 : memref<!tpu.dma_semaphore, #tpu.memory_space<semaphore_mem>>) src(%dma_wait3A_265 : memref<32768xf32, #tpu.memory_space<hbm>>) dst(%dma_wait3A_262 : memref<32768xf32, #tpu.memory_space<vmem>>)
    %get3A_266 = arith.constant 0 : index
    %get3A_267 = tpu.vector_load %arg5[%get3A_266] {strides = array<i32>} : memref<32896xf32, #tpu.memory_space<vmem>>, vector<16xf32>,
    %get3A_268 = vector.shape_cast %get3A_267 : vector<16xf32> to vector<16xf32>
    %get3A_269 = arith.constant 16 : index
    %get3A_270 = tpu.vector_load %arg5[%get3A_269] {strides = array<i32>} : memref<32896xf32, #tpu.memory_space<vmem>>, vector<16xf32>,
    %get3A_271 = vector.shape_cast %get3A_270 : vector<16xf32> to vector<16xf32>
    %get3A_272 = arith.constant 32 : index
    %get3A_273 = tpu.vector_load %arg5[%get3A_272] {strides = array<i32>} : memref<32896xf32, #tpu.memory_space<vmem>>, vector<16xf32>,
    %get3A_274 = vector.shape_cast %get3A_273 : vector<16xf32> to vector<16xf32>
    %get3A_275 = arith.constant 48 : index
    %get3A_276 = tpu.vector_load %arg5[%get3A_275] {strides = array<i32>} : memref<32896xf32, #tpu.memory_space<vmem>>, vector<16xf32>,
    %get3A_277 = vector.shape_cast %get3A_276 : vector<16xf32> to vector<16xf32>
    %get3A_278 = arith.constant 64 : index
    %get3A_279 = tpu.vector_load %arg5[%get3A_278] {strides = array<i32>} : memref<32896xf32, #tpu.memory_space<vmem>>, vector<16xf32>,
    %get3A_280 = vector.shape_cast %get3A_279 : vector<16xf32> to vector<16xf32>
    %get3A_281 = arith.constant 80 : index
    %get3A_282 = tpu.vector_load %arg5[%get3A_281] {strides = array<i32>} : memref<32896xf32, #tpu.memory_space<vmem>>, vector<16xf32>,
    %get3A_283 = vector.shape_cast %get3A_282 : vector<16xf32> to vector<16xf32>
    %get3A_284 = arith.constant 96 : index
    %get3A_285 = tpu.vector_load %arg5[%get3A_284] {strides = array<i32>} : memref<32896xf32, #tpu.memory_space<vmem>>, vector<16xf32>,
    %get3A_286 = vector.shape_cast %get3A_285 : vector<16xf32> to vector<16xf32>
    %get3A_287 = arith.constant 112 : index
    %get3A_288 = tpu.vector_load %arg5[%get3A_287] {strides = array<i32>} : memref<32896xf32, #tpu.memory_space<vmem>>, vector<16xf32>,
    %get3A_289 = vector.shape_cast %get3A_288 : vector<16xf32> to vector<16xf32>
    %broadcast_in_dim3A_290 = arith.constant 0xFF800000 : f32
    %broadcast_in_dim3A_291 = vector.broadcast %broadcast_in_dim3A_290 : f32 to vector<16xf32>
    %broadcast_in_dim3A_292 = arith.constant 0xFF800000 : f32
    %broadcast_in_dim3A_293 = vector.broadcast %broadcast_in_dim3A_292 : f32 to vector<16xf32>
    %broadcast_in_dim3A_294 = arith.constant 0xFF800000 : f32
    %broadcast_in_dim3A_295 = vector.broadcast %broadcast_in_dim3A_294 : f32 to vector<16xf32>
    %broadcast_in_dim3A_296 = arith.constant 0xFF800000 : f32
    %broadcast_in_dim3A_297 = vector.broadcast %broadcast_in_dim3A_296 : f32 to vector<16xf32>
    %broadcast_in_dim3A_298 = arith.constant 0xFF800000 : f32
    %broadcast_in_dim3A_299 = vector.broadcast %broadcast_in_dim3A_298 : f32 to vector<16xf32>
    %broadcast_in_dim3A_300 = arith.constant 0xFF800000 : f32
    %broadcast_in_dim3A_301 = vector.broadcast %broadcast_in_dim3A_300 : f32 to vector<16xf32>
    %broadcast_in_dim3A_302 = arith.constant 0xFF800000 : f32
    %broadcast_in_dim3A_303 = vector.broadcast %broadcast_in_dim3A_302 : f32 to vector<16xf32>
    %broadcast_in_dim3A_304 = arith.constant 0xFF800000 : f32
    %broadcast_in_dim3A_305 = vector.broadcast %broadcast_in_dim3A_304 : f32 to vector<16xf32>
    %parallel_loop3A_306 = arith.constant 0 : i32
    %parallel_loop3A_307 = arith.constant 256 : i32
    %parallel_loop3A_308 = arith.constant 1 : i32
    %parallel_loop3A_309:24 = scf.for %parallel_loop3A_957 = %parallel_loop3A_306 to %parallel_loop3A_307 step %parallel_loop3A_308 iter_args(%parallel_loop3A_958 = %broadcast_in_dim3A_291, %parallel_loop3A_959 = %broadcast_in_dim3A_293, %parallel_loop3A_960 = %broadcast_in_dim3A_295, %parallel_loop3A_961 = %broadcast_in_dim3A_297, %parallel_loop3A_962 = %broadcast_in_dim3A_299, %parallel_loop3A_963 = %broadcast_in_dim3A_301, %parallel_loop3A_964 = %broadcast_in_dim3A_303, %parallel_loop3A_965 = %broadcast_in_dim3A_305, %parallel_loop3A_966 = %iota3A, %parallel_loop3A_967 = %iota3A, %parallel_loop3A_968 = %iota3A, %parallel_loop3A_969 = %iota3A, %parallel_loop3A_970 = %iota3A, %parallel_loop3A_971 = %iota3A, %parallel_loop3A_972 = %iota3A, %parallel_loop3A_973 = %iota3A, %parallel_loop3A_974 = %get3A_268, %parallel_loop3A_975 = %get3A_271, %parallel_loop3A_976 = %get3A_274, %parallel_loop3A_977 = %get3A_277, %parallel_loop3A_978 = %get3A_280, %parallel_loop3A_979 = %get3A_283, %parallel_loop3A_980 = %get3A_286, %parallel_loop3A_981 = %get3A_289) -> (vector<16xf32>, vector<16xf32>, vector<16xf32>, vector<16xf32>, vector<16xf32>, vector<16xf32>, vector<16xf32>, vector<16xf32>, vector<16xi32>, vector<16xi32>, vector<16xi32>, vector<16xi32>, vector<16xi32>, vector<16xi32>, vector<16xi32>, vector<16xi32>, vector<16xf32>, vector<16xf32>, vector<16xf32>, vector<16xf32>, vector<16xf32>, vector<16xf32>, vector<16xf32>, vector<16xf32>)  : i32 {
      %parallel_loop3A_982 = arith.constant 1 : i32
      %parallel_loop3A_983 = arith.addi %parallel_loop3A_957, %parallel_loop3A_982 : i32
      %parallel_loop3A_984 = arith.constant 128 : i32
      %parallel_loop3A_985 = arith.muli %parallel_loop3A_983, %parallel_loop3A_984 : i32
      %parallel_loop3A_986 = arith.constant 0 : i32
      %parallel_loop3A_987 = arith.addi %parallel_loop3A_985, %parallel_loop3A_986 : i32
      %parallel_loop3A_988 = arith.index_cast %parallel_loop3A_987 : i32 to index
      %parallel_loop3A_989 = tpu.vector_load %arg5[%parallel_loop3A_988] {strides = array<i32>} : memref<32896xf32, #tpu.memory_space<vmem>>, vector<16xf32>,
      %parallel_loop3A_990 = vector.shape_cast %parallel_loop3A_989 : vector<16xf32> to vector<16xf32>
      %parallel_loop3A_991 = arith.constant 16 : i32
      %parallel_loop3A_992 = arith.addi %parallel_loop3A_985, %parallel_loop3A_991 : i32
      %parallel_loop3A_993 = arith.index_cast %parallel_loop3A_992 : i32 to index
      %parallel_loop3A_994 = tpu.vector_load %arg5[%parallel_loop3A_993] {strides = array<i32>} : memref<32896xf32, #tpu.memory_space<vmem>>, vector<16xf32>,
      %parallel_loop3A_995 = vector.shape_cast %parallel_loop3A_994 : vector<16xf32> to vector<16xf32>
      %parallel_loop3A_996 = arith.constant 32 : i32
      %parallel_loop3A_997 = arith.addi %parallel_loop3A_985, %parallel_loop3A_996 : i32
      %parallel_loop3A_998 = arith.index_cast %parallel_loop3A_997 : i32 to index
      %parallel_loop3A_999 = tpu.vector_load %arg5[%parallel_loop3A_998] {strides = array<i32>} : memref<32896xf32, #tpu.memory_space<vmem>>, vector<16xf32>,
      %parallel_loop3A_1000 = vector.shape_cast %parallel_loop3A_999 : vector<16xf32> to vector<16xf32>
      %parallel_loop3A_1001 = arith.constant 48 : i32
      %parallel_loop3A_1002 = arith.addi %parallel_loop3A_985, %parallel_loop3A_1001 : i32
      %parallel_loop3A_1003 = arith.index_cast %parallel_loop3A_1002 : i32 to index
      %parallel_loop3A_1004 = tpu.vector_load %arg5[%parallel_loop3A_1003] {strides = array<i32>} : memref<32896xf32, #tpu.memory_space<vmem>>, vector<16xf32>,
      %parallel_loop3A_1005 = vector.shape_cast %parallel_loop3A_1004 : vector<16xf32> to vector<16xf32>
      %parallel_loop3A_1006 = arith.constant 64 : i32
      %parallel_loop3A_1007 = arith.addi %parallel_loop3A_985, %parallel_loop3A_1006 : i32
      %parallel_loop3A_1008 = arith.index_cast %parallel_loop3A_1007 : i32 to index
      %parallel_loop3A_1009 = tpu.vector_load %arg5[%parallel_loop3A_1008] {strides = array<i32>} : memref<32896xf32, #tpu.memory_space<vmem>>, vector<16xf32>,
      %parallel_loop3A_1010 = vector.shape_cast %parallel_loop3A_1009 : vector<16xf32> to vector<16xf32>
      %parallel_loop3A_1011 = arith.constant 80 : i32
      %parallel_loop3A_1012 = arith.addi %parallel_loop3A_985, %parallel_loop3A_1011 : i32
      %parallel_loop3A_1013 = arith.index_cast %parallel_loop3A_1012 : i32 to index
      %parallel_loop3A_1014 = tpu.vector_load %arg5[%parallel_loop3A_1013] {strides = array<i32>} : memref<32896xf32, #tpu.memory_space<vmem>>, vector<16xf32>,
      %parallel_loop3A_1015 = vector.shape_cast %parallel_loop3A_1014 : vector<16xf32> to vector<16xf32>
      %parallel_loop3A_1016 = arith.constant 96 : i32
      %parallel_loop3A_1017 = arith.addi %parallel_loop3A_985, %parallel_loop3A_1016 : i32
      %parallel_loop3A_1018 = arith.index_cast %parallel_loop3A_1017 : i32 to index
      %parallel_loop3A_1019 = tpu.vector_load %arg5[%parallel_loop3A_1018] {strides = array<i32>} : memref<32896xf32, #tpu.memory_space<vmem>>, vector<16xf32>,
      %parallel_loop3A_1020 = vector.shape_cast %parallel_loop3A_1019 : vector<16xf32> to vector<16xf32>
      %parallel_loop3A_1021 = arith.constant 112 : i32
      %parallel_loop3A_1022 = arith.addi %parallel_loop3A_985, %parallel_loop3A_1021 : i32
      %parallel_loop3A_1023 = arith.index_cast %parallel_loop3A_1022 : i32 to index
      %parallel_loop3A_1024 = tpu.vector_load %arg5[%parallel_loop3A_1023] {strides = array<i32>} : memref<32896xf32, #tpu.memory_space<vmem>>, vector<16xf32>,
      %parallel_loop3A_1025 = vector.shape_cast %parallel_loop3A_1024 : vector<16xf32> to vector<16xf32>
      %parallel_loop3A_1026 = arith.cmpf ogt, %parallel_loop3A_974, %parallel_loop3A_958 : vector<16xf32>
      %parallel_loop3A_1027 = arith.maximumf %parallel_loop3A_958, %parallel_loop3A_974 : vector<16xf32>
      %parallel_loop3A_1028 = vector.broadcast %parallel_loop3A_957 : i32 to vector<16xi32>
      %parallel_loop3A_1029 = arith.select %parallel_loop3A_1026, %parallel_loop3A_1028, %parallel_loop3A_966 : vector<16xi1>, vector<16xi32>
      %parallel_loop3A_1030 = arith.cmpf ogt, %parallel_loop3A_975, %parallel_loop3A_959 : vector<16xf32>
      %parallel_loop3A_1031 = arith.maximumf %parallel_loop3A_959, %parallel_loop3A_975 : vector<16xf32>
      %parallel_loop3A_1032 = vector.broadcast %parallel_loop3A_957 : i32 to vector<16xi32>
      %parallel_loop3A_1033 = arith.select %parallel_loop3A_1030, %parallel_loop3A_1032, %parallel_loop3A_967 : vector<16xi1>, vector<16xi32>
      %parallel_loop3A_1034 = arith.cmpf ogt, %parallel_loop3A_976, %parallel_loop3A_960 : vector<16xf32>
      %parallel_loop3A_1035 = arith.maximumf %parallel_loop3A_960, %parallel_loop3A_976 : vector<16xf32>
      %parallel_loop3A_1036 = vector.broadcast %parallel_loop3A_957 : i32 to vector<16xi32>
      %parallel_loop3A_1037 = arith.select %parallel_loop3A_1034, %parallel_loop3A_1036, %parallel_loop3A_968 : vector<16xi1>, vector<16xi32>
      %parallel_loop3A_1038 = arith.cmpf ogt, %parallel_loop3A_977, %parallel_loop3A_961 : vector<16xf32>
      %parallel_loop3A_1039 = arith.maximumf %parallel_loop3A_961, %parallel_loop3A_977 : vector<16xf32>
      %parallel_loop3A_1040 = vector.broadcast %parallel_loop3A_957 : i32 to vector<16xi32>
      %parallel_loop3A_1041 = arith.select %parallel_loop3A_1038, %parallel_loop3A_1040, %parallel_loop3A_969 : vector<16xi1>, vector<16xi32>
      %parallel_loop3A_1042 = arith.cmpf ogt, %parallel_loop3A_978, %parallel_loop3A_962 : vector<16xf32>
      %parallel_loop3A_1043 = arith.maximumf %parallel_loop3A_962, %parallel_loop3A_978 : vector<16xf32>
      %parallel_loop3A_1044 = vector.broadcast %parallel_loop3A_957 : i32 to vector<16xi32>
      %parallel_loop3A_1045 = arith.select %parallel_loop3A_1042, %parallel_loop3A_1044, %parallel_loop3A_970 : vector<16xi1>, vector<16xi32>
      %parallel_loop3A_1046 = arith.cmpf ogt, %parallel_loop3A_979, %parallel_loop3A_963 : vector<16xf32>
      %parallel_loop3A_1047 = arith.maximumf %parallel_loop3A_963, %parallel_loop3A_979 : vector<16xf32>
      %parallel_loop3A_1048 = vector.broadcast %parallel_loop3A_957 : i32 to vector<16xi32>
      %parallel_loop3A_1049 = arith.select %parallel_loop3A_1046, %parallel_loop3A_1048, %parallel_loop3A_971 : vector<16xi1>, vector<16xi32>
      %parallel_loop3A_1050 = arith.cmpf ogt, %parallel_loop3A_980, %parallel_loop3A_964 : vector<16xf32>
      %parallel_loop3A_1051 = arith.maximumf %parallel_loop3A_964, %parallel_loop3A_980 : vector<16xf32>
      %parallel_loop3A_1052 = vector.broadcast %parallel_loop3A_957 : i32 to vector<16xi32>
      %parallel_loop3A_1053 = arith.select %parallel_loop3A_1050, %parallel_loop3A_1052, %parallel_loop3A_972 : vector<16xi1>, vector<16xi32>
      %parallel_loop3A_1054 = arith.cmpf ogt, %parallel_loop3A_981, %parallel_loop3A_965 : vector<16xf32>
      %parallel_loop3A_1055 = arith.maximumf %parallel_loop3A_965, %parallel_loop3A_981 : vector<16xf32>
      %parallel_loop3A_1056 = vector.broadcast %parallel_loop3A_957 : i32 to vector<16xi32>
      %parallel_loop3A_1057 = arith.select %parallel_loop3A_1054, %parallel_loop3A_1056, %parallel_loop3A_973 : vector<16xi1>, vector<16xi32>
      scf.yield %parallel_loop3A_1027, %parallel_loop3A_1031, %parallel_loop3A_1035, %parallel_loop3A_1039, %parallel_loop3A_1043, %parallel_loop3A_1047, %parallel_loop3A_1051, %parallel_loop3A_1055, %parallel_loop3A_1029, %parallel_loop3A_1033, %parallel_loop3A_1037, %parallel_loop3A_1041, %parallel_loop3A_1045, %parallel_loop3A_1049, %parallel_loop3A_1053, %parallel_loop3A_1057, %parallel_loop3A_990, %parallel_loop3A_995, %parallel_loop3A_1000, %parallel_loop3A_1005, %parallel_loop3A_1010, %parallel_loop3A_1015, %parallel_loop3A_1020, %parallel_loop3A_1025 : vector<16xf32>, vector<16xf32>, vector<16xf32>, vector<16xf32>, vector<16xf32>, vector<16xf32>, vector<16xf32>, vector<16xf32>, vector<16xi32>, vector<16xi32>, vector<16xi32>, vector<16xi32>, vector<16xi32>, vector<16xi32>, vector<16xi32>, vector<16xi32>, vector<16xf32>, vector<16xf32>, vector<16xf32>, vector<16xf32>, vector<16xf32>, vector<16xf32>, vector<16xf32>, vector<16xf32>
    } {sc.loop_unroll_factor = 1 : i64, sc.parallel_access}
    %mul3A_310 = arith.constant 128 : i32
    %mul3A_311 = vector.broadcast %mul3A_310 : i32 to vector<16xi32>
    %mul3A_312 = arith.muli %parallel_loop3A_309#8, %mul3A_311 : vector<16xi32>
    %add3A_313 = arith.constant 0 : i32
    %add3A_314 = vector.broadcast %add3A_313 : i32 to vector<16xi32>
    %add3A_315 = arith.addi %add3A_314, %iota3A : vector<16xi32>
    %add3A_316 = arith.addi %mul3A_312, %add3A_315 : vector<16xi32>
    %mul3A_317 = arith.constant 128 : i32
    %mul3A_318 = vector.broadcast %mul3A_317 : i32 to vector<16xi32>
    %mul3A_319 = arith.muli %parallel_loop3A_309#9, %mul3A_318 : vector<16xi32>
    %add3A_320 = arith.constant 16 : i32
    %add3A_321 = vector.broadcast %add3A_320 : i32 to vector<16xi32>
    %add3A_322 = arith.addi %add3A_321, %iota3A : vector<16xi32>
    %add3A_323 = arith.addi %mul3A_319, %add3A_322 : vector<16xi32>
    %gt3A_324 = arith.cmpf ogt, %parallel_loop3A_309#1, %parallel_loop3A_309#0 : vector<16xf32>
    %eq3A_325 = arith.cmpf oeq, %parallel_loop3A_309#1, %parallel_loop3A_309#0 : vector<16xf32>
    %lt3A_326 = arith.cmpi slt, %add3A_323, %add3A_316 : vector<16xi32>
    %and3A_327 = arith.andi %eq3A_325, %lt3A_326 : vector<16xi1>
    %or3A_328 = arith.ori %gt3A_324, %and3A_327 : vector<16xi1>
    %select_n3A_329 = arith.select %or3A_328, %parallel_loop3A_309#1, %parallel_loop3A_309#0 : vector<16xi1>, vector<16xf32>
    %select_n3A_330 = arith.select %or3A_328, %add3A_323, %add3A_316 : vector<16xi1>, vector<16xi32>
    %mul3A_331 = arith.constant 128 : i32
    %mul3A_332 = vector.broadcast %mul3A_331 : i32 to vector<16xi32>
    %mul3A_333 = arith.muli %parallel_loop3A_309#10, %mul3A_332 : vector<16xi32>
    %add3A_334 = arith.constant 32 : i32
    %add3A_335 = vector.broadcast %add3A_334 : i32 to vector<16xi32>
    %add3A_336 = arith.addi %add3A_335, %iota3A : vector<16xi32>
    %add3A_337 = arith.addi %mul3A_333, %add3A_336 : vector<16xi32>
    %gt3A_338 = arith.cmpf ogt, %parallel_loop3A_309#2, %select_n3A_329 : vector<16xf32>
    %eq3A_339 = arith.cmpf oeq, %parallel_loop3A_309#2, %select_n3A_329 : vector<16xf32>
    %lt3A_340 = arith.cmpi slt, %add3A_337, %select_n3A_330 : vector<16xi32>
    %and3A_341 = arith.andi %eq3A_339, %lt3A_340 : vector<16xi1>
    %or3A_342 = arith.ori %gt3A_338, %and3A_341 : vector<16xi1>
    %select_n3A_343 = arith.select %or3A_342, %parallel_loop3A_309#2, %select_n3A_329 : vector<16xi1>, vector<16xf32>
    %select_n3A_344 = arith.select %or3A_342, %add3A_337, %select_n3A_330 : vector<16xi1>, vector<16xi32>
    %mul3A_345 = arith.constant 128 : i32
    %mul3A_346 = vector.broadcast %mul3A_345 : i32 to vector<16xi32>
    %mul3A_347 = arith.muli %parallel_loop3A_309#11, %mul3A_346 : vector<16xi32>
    %add3A_348 = arith.constant 48 : i32
    %add3A_349 = vector.broadcast %add3A_348 : i32 to vector<16xi32>
    %add3A_350 = arith.addi %add3A_349, %iota3A : vector<16xi32>
    %add3A_351 = arith.addi %mul3A_347, %add3A_350 : vector<16xi32>
    %gt3A_352 = arith.cmpf ogt, %parallel_loop3A_309#3, %select_n3A_343 : vector<16xf32>
    %eq3A_353 = arith.cmpf oeq, %parallel_loop3A_309#3, %select_n3A_343 : vector<16xf32>
    %lt3A_354 = arith.cmpi slt, %add3A_351, %select_n3A_344 : vector<16xi32>
    %and3A_355 = arith.andi %eq3A_353, %lt3A_354 : vector<16xi1>
    %or3A_356 = arith.ori %gt3A_352, %and3A_355 : vector<16xi1>
    %select_n3A_357 = arith.select %or3A_356, %parallel_loop3A_309#3, %select_n3A_343 : vector<16xi1>, vector<16xf32>
    %select_n3A_358 = arith.select %or3A_356, %add3A_351, %select_n3A_344 : vector<16xi1>, vector<16xi32>
    %mul3A_359 = arith.constant 128 : i32
    %mul3A_360 = vector.broadcast %mul3A_359 : i32 to vector<16xi32>
    %mul3A_361 = arith.muli %parallel_loop3A_309#12, %mul3A_360 : vector<16xi32>
    %add3A_362 = arith.constant 64 : i32
    %add3A_363 = vector.broadcast %add3A_362 : i32 to vector<16xi32>
    %add3A_364 = arith.addi %add3A_363, %iota3A : vector<16xi32>
    %add3A_365 = arith.addi %mul3A_361, %add3A_364 : vector<16xi32>
    %gt3A_366 = arith.cmpf ogt, %parallel_loop3A_309#4, %select_n3A_357 : vector<16xf32>
    %eq3A_367 = arith.cmpf oeq, %parallel_loop3A_309#4, %select_n3A_357 : vector<16xf32>
    %lt3A_368 = arith.cmpi slt, %add3A_365, %select_n3A_358 : vector<16xi32>
    %and3A_369 = arith.andi %eq3A_367, %lt3A_368 : vector<16xi1>
    %or3A_370 = arith.ori %gt3A_366, %and3A_369 : vector<16xi1>
    %select_n3A_371 = arith.select %or3A_370, %parallel_loop3A_309#4, %select_n3A_357 : vector<16xi1>, vector<16xf32>
    %select_n3A_372 = arith.select %or3A_370, %add3A_365, %select_n3A_358 : vector<16xi1>, vector<16xi32>
    %mul3A_373 = arith.constant 128 : i32
    %mul3A_374 = vector.broadcast %mul3A_373 : i32 to vector<16xi32>
    %mul3A_375 = arith.muli %parallel_loop3A_309#13, %mul3A_374 : vector<16xi32>
    %add3A_376 = arith.constant 80 : i32
    %add3A_377 = vector.broadcast %add3A_376 : i32 to vector<16xi32>
    %add3A_378 = arith.addi %add3A_377, %iota3A : vector<16xi32>
    %add3A_379 = arith.addi %mul3A_375, %add3A_378 : vector<16xi32>
    %gt3A_380 = arith.cmpf ogt, %parallel_loop3A_309#5, %select_n3A_371 : vector<16xf32>
    %eq3A_381 = arith.cmpf oeq, %parallel_loop3A_309#5, %select_n3A_371 : vector<16xf32>
    %lt3A_382 = arith.cmpi slt, %add3A_379, %select_n3A_372 : vector<16xi32>
    %and3A_383 = arith.andi %eq3A_381, %lt3A_382 : vector<16xi1>
    %or3A_384 = arith.ori %gt3A_380, %and3A_383 : vector<16xi1>
    %select_n3A_385 = arith.select %or3A_384, %parallel_loop3A_309#5, %select_n3A_371 : vector<16xi1>, vector<16xf32>
    %select_n3A_386 = arith.select %or3A_384, %add3A_379, %select_n3A_372 : vector<16xi1>, vector<16xi32>
    %mul3A_387 = arith.constant 128 : i32
    %mul3A_388 = vector.broadcast %mul3A_387 : i32 to vector<16xi32>
    %mul3A_389 = arith.muli %parallel_loop3A_309#14, %mul3A_388 : vector<16xi32>
    %add3A_390 = arith.constant 96 : i32
    %add3A_391 = vector.broadcast %add3A_390 : i32 to vector<16xi32>
    %add3A_392 = arith.addi %add3A_391, %iota3A : vector<16xi32>
    %add3A_393 = arith.addi %mul3A_389, %add3A_392 : vector<16xi32>
    %gt3A_394 = arith.cmpf ogt, %parallel_loop3A_309#6, %select_n3A_385 : vector<16xf32>
    %eq3A_395 = arith.cmpf oeq, %parallel_loop3A_309#6, %select_n3A_385 : vector<16xf32>
    %lt3A_396 = arith.cmpi slt, %add3A_393, %select_n3A_386 : vector<16xi32>
    %and3A_397 = arith.andi %eq3A_395, %lt3A_396 : vector<16xi1>
    %or3A_398 = arith.ori %gt3A_394, %and3A_397 : vector<16xi1>
    %select_n3A_399 = arith.select %or3A_398, %parallel_loop3A_309#6, %select_n3A_385 : vector<16xi1>, vector<16xf32>
    %select_n3A_400 = arith.select %or3A_398, %add3A_393, %select_n3A_386 : vector<16xi1>, vector<16xi32>
    %mul3A_401 = arith.constant 128 : i32
    %mul3A_402 = vector.broadcast %mul3A_401 : i32 to vector<16xi32>
    %mul3A_403 = arith.muli %parallel_loop3A_309#15, %mul3A_402 : vector<16xi32>
    %add3A_404 = arith.constant 112 : i32
    %add3A_405 = vector.broadcast %add3A_404 : i32 to vector<16xi32>
    %add3A_406 = arith.addi %add3A_405, %iota3A : vector<16xi32>
    %add3A_407 = arith.addi %mul3A_403, %add3A_406 : vector<16xi32>
    %gt3A_408 = arith.cmpf ogt, %parallel_loop3A_309#7, %select_n3A_399 : vector<16xf32>
    %eq3A_409 = arith.cmpf oeq, %parallel_loop3A_309#7, %select_n3A_399 : vector<16xf32>
    %lt3A_410 = arith.cmpi slt, %add3A_407, %select_n3A_400 : vector<16xi32>
    %and3A_411 = arith.andi %eq3A_409, %lt3A_410 : vector<16xi1>
    %or3A_412 = arith.ori %gt3A_408, %and3A_411 : vector<16xi1>
    %select_n3A_413 = arith.select %or3A_412, %parallel_loop3A_309#7, %select_n3A_399 : vector<16xi1>, vector<16xf32>
    %select_n3A_414 = arith.select %or3A_412, %add3A_407, %select_n3A_400 : vector<16xi1>, vector<16xi32>
    %xor3A_415 = arith.constant 8 : i32
    %xor3A_416 = vector.broadcast %xor3A_415 : i32 to vector<16xi32>
    %xor3A_417 = arith.xori %iota3A, %xor3A_416 : vector<16xi32>
    %broadcast_in_dim3A_418 = vector.shape_cast %xor3A_417 : vector<16xi32> to vector<16x1xi32>
    %gather3A_419 = vector.shape_cast %broadcast_in_dim3A_418 : vector<16x1xi32> to vector<16xi32>
    %gather3A_420 = tpu.dynamic_gather %select_n3A_413[%gather3A_419] in [0] : vector<16xf32>, vector<16xi32> -> vector<16xf32>
    %broadcast_in_dim3A_421 = vector.shape_cast %xor3A_417 : vector<16xi32> to vector<16x1xi32>
    %gather3A_422 = vector.shape_cast %broadcast_in_dim3A_421 : vector<16x1xi32> to vector<16xi32>
    %gather3A_423 = tpu.dynamic_gather %select_n3A_414[%gather3A_422] in [0] : vector<16xi32>, vector<16xi32> -> vector<16xi32>
    %gt3A_424 = arith.cmpf ogt, %gather3A_420, %select_n3A_413 : vector<16xf32>
    %eq3A_425 = arith.cmpf oeq, %gather3A_420, %select_n3A_413 : vector<16xf32>
    %lt3A_426 = arith.cmpi slt, %gather3A_423, %select_n3A_414 : vector<16xi32>
    %and3A_427 = arith.andi %eq3A_425, %lt3A_426 : vector<16xi1>
    %or3A_428 = arith.ori %gt3A_424, %and3A_427 : vector<16xi1>
    %select_n3A_429 = arith.select %or3A_428, %gather3A_420, %select_n3A_413 : vector<16xi1>, vector<16xf32>
    %select_n3A_430 = arith.select %or3A_428, %gather3A_423, %select_n3A_414 : vector<16xi1>, vector<16xi32>
    %xor3A_431 = arith.constant 4 : i32
    %xor3A_432 = vector.broadcast %xor3A_431 : i32 to vector<16xi32>
    %xor3A_433 = arith.xori %iota3A, %xor3A_432 : vector<16xi32>
    %broadcast_in_dim3A_434 = vector.shape_cast %xor3A_433 : vector<16xi32> to vector<16x1xi32>
    %gather3A_435 = vector.shape_cast %broadcast_in_dim3A_434 : vector<16x1xi32> to vector<16xi32>
    %gather3A_436 = tpu.dynamic_gather %select_n3A_429[%gather3A_435] in [0] : vector<16xf32>, vector<16xi32> -> vector<16xf32>
    %broadcast_in_dim3A_437 = vector.shape_cast %xor3A_433 : vector<16xi32> to vector<16x1xi32>
    %gather3A_438 = vector.shape_cast %broadcast_in_dim3A_437 : vector<16x1xi32> to vector<16xi32>
    %gather3A_439 = tpu.dynamic_gather %select_n3A_430[%gather3A_438] in [0] : vector<16xi32>, vector<16xi32> -> vector<16xi32>
    %gt3A_440 = arith.cmpf ogt, %gather3A_436, %select_n3A_429 : vector<16xf32>
    %eq3A_441 = arith.cmpf oeq, %gather3A_436, %select_n3A_429 : vector<16xf32>
    %lt3A_442 = arith.cmpi slt, %gather3A_439, %select_n3A_430 : vector<16xi32>
    %and3A_443 = arith.andi %eq3A_441, %lt3A_442 : vector<16xi1>
    %or3A_444 = arith.ori %gt3A_440, %and3A_443 : vector<16xi1>
    %select_n3A_445 = arith.select %or3A_444, %gather3A_436, %select_n3A_429 : vector<16xi1>, vector<16xf32>
    %select_n3A_446 = arith.select %or3A_444, %gather3A_439, %select_n3A_430 : vector<16xi1>, vector<16xi32>
    %xor3A_447 = arith.constant 2 : i32
    %xor3A_448 = vector.broadcast %xor3A_447 : i32 to vector<16xi32>
    %xor3A_449 = arith.xori %iota3A, %xor3A_448 : vector<16xi32>
    %broadcast_in_dim3A_450 = vector.shape_cast %xor3A_449 : vector<16xi32> to vector<16x1xi32>
    %gather3A_451 = vector.shape_cast %broadcast_in_dim3A_450 : vector<16x1xi32> to vector<16xi32>
    %gather3A_452 = tpu.dynamic_gather %select_n3A_445[%gather3A_451] in [0] : vector<16xf32>, vector<16xi32> -> vector<16xf32>
    %broadcast_in_dim3A_453 = vector.shape_cast %xor3A_449 : vector<16xi32> to vector<16x1xi32>
    %gather3A_454 = vector.shape_cast %broadcast_in_dim3A_453 : vector<16x1xi32> to vector<16xi32>
    %gather3A_455 = tpu.dynamic_gather %select_n3A_446[%gather3A_454] in [0] : vector<16xi32>, vector<16xi32> -> vector<16xi32>
    %gt3A_456 = arith.cmpf ogt, %gather3A_452, %select_n3A_445 : vector<16xf32>
    %eq3A_457 = arith.cmpf oeq, %gather3A_452, %select_n3A_445 : vector<16xf32>
    %lt3A_458 = arith.cmpi slt, %gather3A_455, %select_n3A_446 : vector<16xi32>
    %and3A_459 = arith.andi %eq3A_457, %lt3A_458 : vector<16xi1>
    %or3A_460 = arith.ori %gt3A_456, %and3A_459 : vector<16xi1>
    %select_n3A_461 = arith.select %or3A_460, %gather3A_452, %select_n3A_445 : vector<16xi1>, vector<16xf32>
    %select_n3A_462 = arith.select %or3A_460, %gather3A_455, %select_n3A_446 : vector<16xi1>, vector<16xi32>
    %xor3A_463 = arith.constant 1 : i32
    %xor3A_464 = vector.broadcast %xor3A_463 : i32 to vector<16xi32>
    %xor3A_465 = arith.xori %iota3A, %xor3A_464 : vector<16xi32>
    %broadcast_in_dim3A_466 = vector.shape_cast %xor3A_465 : vector<16xi32> to vector<16x1xi32>
    %gather3A_467 = vector.shape_cast %broadcast_in_dim3A_466 : vector<16x1xi32> to vector<16xi32>
    %gather3A_468 = tpu.dynamic_gather %select_n3A_461[%gather3A_467] in [0] : vector<16xf32>, vector<16xi32> -> vector<16xf32>
    %broadcast_in_dim3A_469 = vector.shape_cast %xor3A_465 : vector<16xi32> to vector<16x1xi32>
    %gather3A_470 = vector.shape_cast %broadcast_in_dim3A_469 : vector<16x1xi32> to vector<16xi32>
    %gather3A_471 = tpu.dynamic_gather %select_n3A_462[%gather3A_470] in [0] : vector<16xi32>, vector<16xi32> -> vector<16xi32>
    %gt3A_472 = arith.cmpf ogt, %gather3A_468, %select_n3A_461 : vector<16xf32>
    %eq3A_473 = arith.cmpf oeq, %gather3A_468, %select_n3A_461 : vector<16xf32>
    %lt3A_474 = arith.cmpi slt, %gather3A_471, %select_n3A_462 : vector<16xi32>
    %and3A_475 = arith.andi %eq3A_473, %lt3A_474 : vector<16xi1>
    %or3A_476 = arith.ori %gt3A_472, %and3A_475 : vector<16xi1>
    %select_n3A_477 = arith.select %or3A_476, %gather3A_468, %select_n3A_461 : vector<16xi1>, vector<16xf32>
    %select_n3A_478 = arith.select %or3A_476, %gather3A_471, %select_n3A_462 : vector<16xi1>, vector<16xi32>
    %swap3A_479 = arith.constant 1 : i32
    %swap3A_480 = arith.index_cast %swap3A_479 : i32 to index
    %swap3A_481 = arith.constant 0 : index
    %swap3A_482 = tpu.vector_load %arg8[%swap3A_480, %swap3A_481] {strides = array<i32>} : memref<4x16xi32, #tpu.memory_space<vmem>>, vector<1x16xi32>,
    %swap3A_483 = vector.shape_cast %swap3A_482 : vector<1x16xi32> to vector<16xi32>
    %swap3A_484 = vector.shape_cast %select_n3A_478 : vector<16xi32> to vector<1x16xi32>
    tpu.vector_store %arg8[%swap3A_480, %swap3A_481], %swap3A_484 {strides = array<i32>} : memref<4x16xi32, #tpu.memory_space<vmem>>, vector<1x16xi32>,
    %add3A_485 = arith.constant 2 : i32
    %add3A_486 = arith.addi %mul3A_2, %add3A_485 : i32
    %add3A_487 = arith.constant 1 : i32
    %add3A_488 = arith.addi %add3A_486, %add3A_487 : i32
    %dma_start3A_489 = arith.constant 0 : i32
    %dma_start3A_490 = tpu.memref_slice %arg5[%dma_start3A_489] : memref<32896xf32, #tpu.memory_space<vmem>> -> memref<32768xf32, #tpu.memory_space<vmem>>
    %dma_start3A_491 = arith.constant 0 : i32
    %dma_start3A_492 = tpu.memref_slice %arg2[%add3A_488, %dma_start3A_491] : memref<128x32768xf32, #tpu.memory_space<hbm>> -> memref<1x32768xf32, #tpu.memory_space<hbm>>
    %dma_start3A_493 = tpu.memref_squeeze %dma_start3A_492 : memref<1x32768xf32, #tpu.memory_space<hbm>> -> memref<32768xf32, #tpu.memory_space<hbm>>
    %dma_start3A_494 = arith.constant 0 : i32
    %dma_start3A_495 = tpu.memref_slice %arg5[%dma_start3A_494] : memref<32896xf32, #tpu.memory_space<vmem>> -> memref<32768xf32, #tpu.memory_space<vmem>>
    %dma_start3A_496 = arith.constant 0 : i32
    %dma_start3A_497 = tpu.memref_slice %arg2[%add3A_488, %dma_start3A_496] : memref<128x32768xf32, #tpu.memory_space<hbm>> -> memref<1x32768xf32, #tpu.memory_space<hbm>>
    %dma_start3A_498 = tpu.memref_squeeze %dma_start3A_497 : memref<1x32768xf32, #tpu.memory_space<hbm>> -> memref<32768xf32, #tpu.memory_space<hbm>>
    tpu.enqueue_dma source(%dma_start3A_498 : memref<32768xf32, #tpu.memory_space<hbm>>) target(%dma_start3A_495 : memref<32768xf32, #tpu.memory_space<vmem>>) target_semaphore(%arg7 : memref<!tpu.dma_semaphore, #tpu.memory_space<semaphore_mem>>)
    %dma_wait3A_499 = arith.constant 0 : i32
    %dma_wait3A_500 = tpu.memref_slice %arg4[%dma_wait3A_499] : memref<32896xf32, #tpu.memory_space<vmem>> -> memref<32768xf32, #tpu.memory_space<vmem>>
    %dma_wait3A_501 = arith.constant 0 : i32
    %dma_wait3A_502 = tpu.memref_slice %arg2[%add3A_245, %dma_wait3A_501] : memref<128x32768xf32, #tpu.memory_space<hbm>> -> memref<1x32768xf32, #tpu.memory_space<hbm>>
    %dma_wait3A_503 = tpu.memref_squeeze %dma_wait3A_502 : memref<1x32768xf32, #tpu.memory_space<hbm>> -> memref<32768xf32, #tpu.memory_space<hbm>>
    %dma_wait3A_504 = arith.constant 0 : i32
    %dma_wait3A_505 = tpu.memref_slice %arg4[%dma_wait3A_504] : memref<32896xf32, #tpu.memory_space<vmem>> -> memref<32768xf32, #tpu.memory_space<vmem>>
    %dma_wait3A_506 = arith.constant 0 : i32
    %dma_wait3A_507 = tpu.memref_slice %arg2[%add3A_245, %dma_wait3A_506] : memref<128x32768xf32, #tpu.memory_space<hbm>> -> memref<1x32768xf32, #tpu.memory_space<hbm>>
    %dma_wait3A_508 = tpu.memref_squeeze %dma_wait3A_507 : memref<1x32768xf32, #tpu.memory_space<hbm>> -> memref<32768xf32, #tpu.memory_space<hbm>>
    tpu.wait_dma2 semaphore(%arg6 : memref<!tpu.dma_semaphore, #tpu.memory_space<semaphore_mem>>) src(%dma_wait3A_508 : memref<32768xf32, #tpu.memory_space<hbm>>) dst(%dma_wait3A_505 : memref<32768xf32, #tpu.memory_space<vmem>>)
    %get3A_509 = arith.constant 0 : index
    %get3A_510 = tpu.vector_load %arg4[%get3A_509] {strides = array<i32>} : memref<32896xf32, #tpu.memory_space<vmem>>, vector<16xf32>,
    %get3A_511 = vector.shape_cast %get3A_510 : vector<16xf32> to vector<16xf32>
    %get3A_512 = arith.constant 16 : index
    %get3A_513 = tpu.vector_load %arg4[%get3A_512] {strides = array<i32>} : memref<32896xf32, #tpu.memory_space<vmem>>, vector<16xf32>,
    %get3A_514 = vector.shape_cast %get3A_513 : vector<16xf32> to vector<16xf32>
    %get3A_515 = arith.constant 32 : index
    %get3A_516 = tpu.vector_load %arg4[%get3A_515] {strides = array<i32>} : memref<32896xf32, #tpu.memory_space<vmem>>, vector<16xf32>,
    %get3A_517 = vector.shape_cast %get3A_516 : vector<16xf32> to vector<16xf32>
    %get3A_518 = arith.constant 48 : index
    %get3A_519 = tpu.vector_load %arg4[%get3A_518] {strides = array<i32>} : memref<32896xf32, #tpu.memory_space<vmem>>, vector<16xf32>,
    %get3A_520 = vector.shape_cast %get3A_519 : vector<16xf32> to vector<16xf32>
    %get3A_521 = arith.constant 64 : index
    %get3A_522 = tpu.vector_load %arg4[%get3A_521] {strides = array<i32>} : memref<32896xf32, #tpu.memory_space<vmem>>, vector<16xf32>,
    %get3A_523 = vector.shape_cast %get3A_522 : vector<16xf32> to vector<16xf32>
    %get3A_524 = arith.constant 80 : index
    %get3A_525 = tpu.vector_load %arg4[%get3A_524] {strides = array<i32>} : memref<32896xf32, #tpu.memory_space<vmem>>, vector<16xf32>,
    %get3A_526 = vector.shape_cast %get3A_525 : vector<16xf32> to vector<16xf32>
    %get3A_527 = arith.constant 96 : index
    %get3A_528 = tpu.vector_load %arg4[%get3A_527] {strides = array<i32>} : memref<32896xf32, #tpu.memory_space<vmem>>, vector<16xf32>,
    %get3A_529 = vector.shape_cast %get3A_528 : vector<16xf32> to vector<16xf32>
    %get3A_530 = arith.constant 112 : index
    %get3A_531 = tpu.vector_load %arg4[%get3A_530] {strides = array<i32>} : memref<32896xf32, #tpu.memory_space<vmem>>, vector<16xf32>,
    %get3A_532 = vector.shape_cast %get3A_531 : vector<16xf32> to vector<16xf32>
    %broadcast_in_dim3A_533 = arith.constant 0xFF800000 : f32
    %broadcast_in_dim3A_534 = vector.broadcast %broadcast_in_dim3A_533 : f32 to vector<16xf32>
    %broadcast_in_dim3A_535 = arith.constant 0xFF800000 : f32
    %broadcast_in_dim3A_536 = vector.broadcast %broadcast_in_dim3A_535 : f32 to vector<16xf32>
    %broadcast_in_dim3A_537 = arith.constant 0xFF800000 : f32
    %broadcast_in_dim3A_538 = vector.broadcast %broadcast_in_dim3A_537 : f32 to vector<16xf32>
    %broadcast_in_dim3A_539 = arith.constant 0xFF800000 : f32
    %broadcast_in_dim3A_540 = vector.broadcast %broadcast_in_dim3A_539 : f32 to vector<16xf32>
    %broadcast_in_dim3A_541 = arith.constant 0xFF800000 : f32
    %broadcast_in_dim3A_542 = vector.broadcast %broadcast_in_dim3A_541 : f32 to vector<16xf32>
    %broadcast_in_dim3A_543 = arith.constant 0xFF800000 : f32
    %broadcast_in_dim3A_544 = vector.broadcast %broadcast_in_dim3A_543 : f32 to vector<16xf32>
    %broadcast_in_dim3A_545 = arith.constant 0xFF800000 : f32
    %broadcast_in_dim3A_546 = vector.broadcast %broadcast_in_dim3A_545 : f32 to vector<16xf32>
    %broadcast_in_dim3A_547 = arith.constant 0xFF800000 : f32
    %broadcast_in_dim3A_548 = vector.broadcast %broadcast_in_dim3A_547 : f32 to vector<16xf32>
    %parallel_loop3A_549 = arith.constant 0 : i32
    %parallel_loop3A_550 = arith.constant 256 : i32
    %parallel_loop3A_551 = arith.constant 1 : i32
    %parallel_loop3A_552:24 = scf.for %parallel_loop3A_957 = %parallel_loop3A_549 to %parallel_loop3A_550 step %parallel_loop3A_551 iter_args(%parallel_loop3A_958 = %broadcast_in_dim3A_534, %parallel_loop3A_959 = %broadcast_in_dim3A_536, %parallel_loop3A_960 = %broadcast_in_dim3A_538, %parallel_loop3A_961 = %broadcast_in_dim3A_540, %parallel_loop3A_962 = %broadcast_in_dim3A_542, %parallel_loop3A_963 = %broadcast_in_dim3A_544, %parallel_loop3A_964 = %broadcast_in_dim3A_546, %parallel_loop3A_965 = %broadcast_in_dim3A_548, %parallel_loop3A_966 = %iota3A, %parallel_loop3A_967 = %iota3A, %parallel_loop3A_968 = %iota3A, %parallel_loop3A_969 = %iota3A, %parallel_loop3A_970 = %iota3A, %parallel_loop3A_971 = %iota3A, %parallel_loop3A_972 = %iota3A, %parallel_loop3A_973 = %iota3A, %parallel_loop3A_974 = %get3A_511, %parallel_loop3A_975 = %get3A_514, %parallel_loop3A_976 = %get3A_517, %parallel_loop3A_977 = %get3A_520, %parallel_loop3A_978 = %get3A_523, %parallel_loop3A_979 = %get3A_526, %parallel_loop3A_980 = %get3A_529, %parallel_loop3A_981 = %get3A_532) -> (vector<16xf32>, vector<16xf32>, vector<16xf32>, vector<16xf32>, vector<16xf32>, vector<16xf32>, vector<16xf32>, vector<16xf32>, vector<16xi32>, vector<16xi32>, vector<16xi32>, vector<16xi32>, vector<16xi32>, vector<16xi32>, vector<16xi32>, vector<16xi32>, vector<16xf32>, vector<16xf32>, vector<16xf32>, vector<16xf32>, vector<16xf32>, vector<16xf32>, vector<16xf32>, vector<16xf32>)  : i32 {
      %parallel_loop3A_982 = arith.constant 1 : i32
      %parallel_loop3A_983 = arith.addi %parallel_loop3A_957, %parallel_loop3A_982 : i32
      %parallel_loop3A_984 = arith.constant 128 : i32
      %parallel_loop3A_985 = arith.muli %parallel_loop3A_983, %parallel_loop3A_984 : i32
      %parallel_loop3A_986 = arith.constant 0 : i32
      %parallel_loop3A_987 = arith.addi %parallel_loop3A_985, %parallel_loop3A_986 : i32
      %parallel_loop3A_988 = arith.index_cast %parallel_loop3A_987 : i32 to index
      %parallel_loop3A_989 = tpu.vector_load %arg4[%parallel_loop3A_988] {strides = array<i32>} : memref<32896xf32, #tpu.memory_space<vmem>>, vector<16xf32>,
      %parallel_loop3A_990 = vector.shape_cast %parallel_loop3A_989 : vector<16xf32> to vector<16xf32>
      %parallel_loop3A_991 = arith.constant 16 : i32
      %parallel_loop3A_992 = arith.addi %parallel_loop3A_985, %parallel_loop3A_991 : i32
      %parallel_loop3A_993 = arith.index_cast %parallel_loop3A_992 : i32 to index
      %parallel_loop3A_994 = tpu.vector_load %arg4[%parallel_loop3A_993] {strides = array<i32>} : memref<32896xf32, #tpu.memory_space<vmem>>, vector<16xf32>,
      %parallel_loop3A_995 = vector.shape_cast %parallel_loop3A_994 : vector<16xf32> to vector<16xf32>
      %parallel_loop3A_996 = arith.constant 32 : i32
      %parallel_loop3A_997 = arith.addi %parallel_loop3A_985, %parallel_loop3A_996 : i32
      %parallel_loop3A_998 = arith.index_cast %parallel_loop3A_997 : i32 to index
      %parallel_loop3A_999 = tpu.vector_load %arg4[%parallel_loop3A_998] {strides = array<i32>} : memref<32896xf32, #tpu.memory_space<vmem>>, vector<16xf32>,
      %parallel_loop3A_1000 = vector.shape_cast %parallel_loop3A_999 : vector<16xf32> to vector<16xf32>
      %parallel_loop3A_1001 = arith.constant 48 : i32
      %parallel_loop3A_1002 = arith.addi %parallel_loop3A_985, %parallel_loop3A_1001 : i32
      %parallel_loop3A_1003 = arith.index_cast %parallel_loop3A_1002 : i32 to index
      %parallel_loop3A_1004 = tpu.vector_load %arg4[%parallel_loop3A_1003] {strides = array<i32>} : memref<32896xf32, #tpu.memory_space<vmem>>, vector<16xf32>,
      %parallel_loop3A_1005 = vector.shape_cast %parallel_loop3A_1004 : vector<16xf32> to vector<16xf32>
      %parallel_loop3A_1006 = arith.constant 64 : i32
      %parallel_loop3A_1007 = arith.addi %parallel_loop3A_985, %parallel_loop3A_1006 : i32
      %parallel_loop3A_1008 = arith.index_cast %parallel_loop3A_1007 : i32 to index
      %parallel_loop3A_1009 = tpu.vector_load %arg4[%parallel_loop3A_1008] {strides = array<i32>} : memref<32896xf32, #tpu.memory_space<vmem>>, vector<16xf32>,
      %parallel_loop3A_1010 = vector.shape_cast %parallel_loop3A_1009 : vector<16xf32> to vector<16xf32>
      %parallel_loop3A_1011 = arith.constant 80 : i32
      %parallel_loop3A_1012 = arith.addi %parallel_loop3A_985, %parallel_loop3A_1011 : i32
      %parallel_loop3A_1013 = arith.index_cast %parallel_loop3A_1012 : i32 to index
      %parallel_loop3A_1014 = tpu.vector_load %arg4[%parallel_loop3A_1013] {strides = array<i32>} : memref<32896xf32, #tpu.memory_space<vmem>>, vector<16xf32>,
      %parallel_loop3A_1015 = vector.shape_cast %parallel_loop3A_1014 : vector<16xf32> to vector<16xf32>
      %parallel_loop3A_1016 = arith.constant 96 : i32
      %parallel_loop3A_1017 = arith.addi %parallel_loop3A_985, %parallel_loop3A_1016 : i32
      %parallel_loop3A_1018 = arith.index_cast %parallel_loop3A_1017 : i32 to index
      %parallel_loop3A_1019 = tpu.vector_load %arg4[%parallel_loop3A_1018] {strides = array<i32>} : memref<32896xf32, #tpu.memory_space<vmem>>, vector<16xf32>,
      %parallel_loop3A_1020 = vector.shape_cast %parallel_loop3A_1019 : vector<16xf32> to vector<16xf32>
      %parallel_loop3A_1021 = arith.constant 112 : i32
      %parallel_loop3A_1022 = arith.addi %parallel_loop3A_985, %parallel_loop3A_1021 : i32
      %parallel_loop3A_1023 = arith.index_cast %parallel_loop3A_1022 : i32 to index
      %parallel_loop3A_1024 = tpu.vector_load %arg4[%parallel_loop3A_1023] {strides = array<i32>} : memref<32896xf32, #tpu.memory_space<vmem>>, vector<16xf32>,
      %parallel_loop3A_1025 = vector.shape_cast %parallel_loop3A_1024 : vector<16xf32> to vector<16xf32>
      %parallel_loop3A_1026 = arith.cmpf ogt, %parallel_loop3A_974, %parallel_loop3A_958 : vector<16xf32>
      %parallel_loop3A_1027 = arith.maximumf %parallel_loop3A_958, %parallel_loop3A_974 : vector<16xf32>
      %parallel_loop3A_1028 = vector.broadcast %parallel_loop3A_957 : i32 to vector<16xi32>
      %parallel_loop3A_1029 = arith.select %parallel_loop3A_1026, %parallel_loop3A_1028, %parallel_loop3A_966 : vector<16xi1>, vector<16xi32>
      %parallel_loop3A_1030 = arith.cmpf ogt, %parallel_loop3A_975, %parallel_loop3A_959 : vector<16xf32>
      %parallel_loop3A_1031 = arith.maximumf %parallel_loop3A_959, %parallel_loop3A_975 : vector<16xf32>
      %parallel_loop3A_1032 = vector.broadcast %parallel_loop3A_957 : i32 to vector<16xi32>
      %parallel_loop3A_1033 = arith.select %parallel_loop3A_1030, %parallel_loop3A_1032, %parallel_loop3A_967 : vector<16xi1>, vector<16xi32>
      %parallel_loop3A_1034 = arith.cmpf ogt, %parallel_loop3A_976, %parallel_loop3A_960 : vector<16xf32>
      %parallel_loop3A_1035 = arith.maximumf %parallel_loop3A_960, %parallel_loop3A_976 : vector<16xf32>
      %parallel_loop3A_1036 = vector.broadcast %parallel_loop3A_957 : i32 to vector<16xi32>
      %parallel_loop3A_1037 = arith.select %parallel_loop3A_1034, %parallel_loop3A_1036, %parallel_loop3A_968 : vector<16xi1>, vector<16xi32>
      %parallel_loop3A_1038 = arith.cmpf ogt, %parallel_loop3A_977, %parallel_loop3A_961 : vector<16xf32>
      %parallel_loop3A_1039 = arith.maximumf %parallel_loop3A_961, %parallel_loop3A_977 : vector<16xf32>
      %parallel_loop3A_1040 = vector.broadcast %parallel_loop3A_957 : i32 to vector<16xi32>
      %parallel_loop3A_1041 = arith.select %parallel_loop3A_1038, %parallel_loop3A_1040, %parallel_loop3A_969 : vector<16xi1>, vector<16xi32>
      %parallel_loop3A_1042 = arith.cmpf ogt, %parallel_loop3A_978, %parallel_loop3A_962 : vector<16xf32>
      %parallel_loop3A_1043 = arith.maximumf %parallel_loop3A_962, %parallel_loop3A_978 : vector<16xf32>
      %parallel_loop3A_1044 = vector.broadcast %parallel_loop3A_957 : i32 to vector<16xi32>
      %parallel_loop3A_1045 = arith.select %parallel_loop3A_1042, %parallel_loop3A_1044, %parallel_loop3A_970 : vector<16xi1>, vector<16xi32>
      %parallel_loop3A_1046 = arith.cmpf ogt, %parallel_loop3A_979, %parallel_loop3A_963 : vector<16xf32>
      %parallel_loop3A_1047 = arith.maximumf %parallel_loop3A_963, %parallel_loop3A_979 : vector<16xf32>
      %parallel_loop3A_1048 = vector.broadcast %parallel_loop3A_957 : i32 to vector<16xi32>
      %parallel_loop3A_1049 = arith.select %parallel_loop3A_1046, %parallel_loop3A_1048, %parallel_loop3A_971 : vector<16xi1>, vector<16xi32>
      %parallel_loop3A_1050 = arith.cmpf ogt, %parallel_loop3A_980, %parallel_loop3A_964 : vector<16xf32>
      %parallel_loop3A_1051 = arith.maximumf %parallel_loop3A_964, %parallel_loop3A_980 : vector<16xf32>
      %parallel_loop3A_1052 = vector.broadcast %parallel_loop3A_957 : i32 to vector<16xi32>
      %parallel_loop3A_1053 = arith.select %parallel_loop3A_1050, %parallel_loop3A_1052, %parallel_loop3A_972 : vector<16xi1>, vector<16xi32>
      %parallel_loop3A_1054 = arith.cmpf ogt, %parallel_loop3A_981, %parallel_loop3A_965 : vector<16xf32>
      %parallel_loop3A_1055 = arith.maximumf %parallel_loop3A_965, %parallel_loop3A_981 : vector<16xf32>
      %parallel_loop3A_1056 = vector.broadcast %parallel_loop3A_957 : i32 to vector<16xi32>
      %parallel_loop3A_1057 = arith.select %parallel_loop3A_1054, %parallel_loop3A_1056, %parallel_loop3A_973 : vector<16xi1>, vector<16xi32>
      scf.yield %parallel_loop3A_1027, %parallel_loop3A_1031, %parallel_loop3A_1035, %parallel_loop3A_1039, %parallel_loop3A_1043, %parallel_loop3A_1047, %parallel_loop3A_1051, %parallel_loop3A_1055, %parallel_loop3A_1029, %parallel_loop3A_1033, %parallel_loop3A_1037, %parallel_loop3A_1041, %parallel_loop3A_1045, %parallel_loop3A_1049, %parallel_loop3A_1053, %parallel_loop3A_1057, %parallel_loop3A_990, %parallel_loop3A_995, %parallel_loop3A_1000, %parallel_loop3A_1005, %parallel_loop3A_1010, %parallel_loop3A_1015, %parallel_loop3A_1020, %parallel_loop3A_1025 : vector<16xf32>, vector<16xf32>, vector<16xf32>, vector<16xf32>, vector<16xf32>, vector<16xf32>, vector<16xf32>, vector<16xf32>, vector<16xi32>, vector<16xi32>, vector<16xi32>, vector<16xi32>, vector<16xi32>, vector<16xi32>, vector<16xi32>, vector<16xi32>, vector<16xf32>, vector<16xf32>, vector<16xf32>, vector<16xf32>, vector<16xf32>, vector<16xf32>, vector<16xf32>, vector<16xf32>
    } {sc.loop_unroll_factor = 1 : i64, sc.parallel_access}
    %mul3A_553 = arith.constant 128 : i32
    %mul3A_554 = vector.broadcast %mul3A_553 : i32 to vector<16xi32>
    %mul3A_555 = arith.muli %parallel_loop3A_552#8, %mul3A_554 : vector<16xi32>
    %add3A_556 = arith.constant 0 : i32
    %add3A_557 = vector.broadcast %add3A_556 : i32 to vector<16xi32>
    %add3A_558 = arith.addi %add3A_557, %iota3A : vector<16xi32>
    %add3A_559 = arith.addi %mul3A_555, %add3A_558 : vector<16xi32>
    %mul3A_560 = arith.constant 128 : i32
    %mul3A_561 = vector.broadcast %mul3A_560 : i32 to vector<16xi32>
    %mul3A_562 = arith.muli %parallel_loop3A_552#9, %mul3A_561 : vector<16xi32>
    %add3A_563 = arith.constant 16 : i32
    %add3A_564 = vector.broadcast %add3A_563 : i32 to vector<16xi32>
    %add3A_565 = arith.addi %add3A_564, %iota3A : vector<16xi32>
    %add3A_566 = arith.addi %mul3A_562, %add3A_565 : vector<16xi32>
    %gt3A_567 = arith.cmpf ogt, %parallel_loop3A_552#1, %parallel_loop3A_552#0 : vector<16xf32>
    %eq3A_568 = arith.cmpf oeq, %parallel_loop3A_552#1, %parallel_loop3A_552#0 : vector<16xf32>
    %lt3A_569 = arith.cmpi slt, %add3A_566, %add3A_559 : vector<16xi32>
    %and3A_570 = arith.andi %eq3A_568, %lt3A_569 : vector<16xi1>
    %or3A_571 = arith.ori %gt3A_567, %and3A_570 : vector<16xi1>
    %select_n3A_572 = arith.select %or3A_571, %parallel_loop3A_552#1, %parallel_loop3A_552#0 : vector<16xi1>, vector<16xf32>
    %select_n3A_573 = arith.select %or3A_571, %add3A_566, %add3A_559 : vector<16xi1>, vector<16xi32>
    %mul3A_574 = arith.constant 128 : i32
    %mul3A_575 = vector.broadcast %mul3A_574 : i32 to vector<16xi32>
    %mul3A_576 = arith.muli %parallel_loop3A_552#10, %mul3A_575 : vector<16xi32>
    %add3A_577 = arith.constant 32 : i32
    %add3A_578 = vector.broadcast %add3A_577 : i32 to vector<16xi32>
    %add3A_579 = arith.addi %add3A_578, %iota3A : vector<16xi32>
    %add3A_580 = arith.addi %mul3A_576, %add3A_579 : vector<16xi32>
    %gt3A_581 = arith.cmpf ogt, %parallel_loop3A_552#2, %select_n3A_572 : vector<16xf32>
    %eq3A_582 = arith.cmpf oeq, %parallel_loop3A_552#2, %select_n3A_572 : vector<16xf32>
    %lt3A_583 = arith.cmpi slt, %add3A_580, %select_n3A_573 : vector<16xi32>
    %and3A_584 = arith.andi %eq3A_582, %lt3A_583 : vector<16xi1>
    %or3A_585 = arith.ori %gt3A_581, %and3A_584 : vector<16xi1>
    %select_n3A_586 = arith.select %or3A_585, %parallel_loop3A_552#2, %select_n3A_572 : vector<16xi1>, vector<16xf32>
    %select_n3A_587 = arith.select %or3A_585, %add3A_580, %select_n3A_573 : vector<16xi1>, vector<16xi32>
    %mul3A_588 = arith.constant 128 : i32
    %mul3A_589 = vector.broadcast %mul3A_588 : i32 to vector<16xi32>
    %mul3A_590 = arith.muli %parallel_loop3A_552#11, %mul3A_589 : vector<16xi32>
    %add3A_591 = arith.constant 48 : i32
    %add3A_592 = vector.broadcast %add3A_591 : i32 to vector<16xi32>
    %add3A_593 = arith.addi %add3A_592, %iota3A : vector<16xi32>
    %add3A_594 = arith.addi %mul3A_590, %add3A_593 : vector<16xi32>
    %gt3A_595 = arith.cmpf ogt, %parallel_loop3A_552#3, %select_n3A_586 : vector<16xf32>
    %eq3A_596 = arith.cmpf oeq, %parallel_loop3A_552#3, %select_n3A_586 : vector<16xf32>
    %lt3A_597 = arith.cmpi slt, %add3A_594, %select_n3A_587 : vector<16xi32>
    %and3A_598 = arith.andi %eq3A_596, %lt3A_597 : vector<16xi1>
    %or3A_599 = arith.ori %gt3A_595, %and3A_598 : vector<16xi1>
    %select_n3A_600 = arith.select %or3A_599, %parallel_loop3A_552#3, %select_n3A_586 : vector<16xi1>, vector<16xf32>
    %select_n3A_601 = arith.select %or3A_599, %add3A_594, %select_n3A_587 : vector<16xi1>, vector<16xi32>
    %mul3A_602 = arith.constant 128 : i32
    %mul3A_603 = vector.broadcast %mul3A_602 : i32 to vector<16xi32>
    %mul3A_604 = arith.muli %parallel_loop3A_552#12, %mul3A_603 : vector<16xi32>
    %add3A_605 = arith.constant 64 : i32
    %add3A_606 = vector.broadcast %add3A_605 : i32 to vector<16xi32>
    %add3A_607 = arith.addi %add3A_606, %iota3A : vector<16xi32>
    %add3A_608 = arith.addi %mul3A_604, %add3A_607 : vector<16xi32>
    %gt3A_609 = arith.cmpf ogt, %parallel_loop3A_552#4, %select_n3A_600 : vector<16xf32>
    %eq3A_610 = arith.cmpf oeq, %parallel_loop3A_552#4, %select_n3A_600 : vector<16xf32>
    %lt3A_611 = arith.cmpi slt, %add3A_608, %select_n3A_601 : vector<16xi32>
    %and3A_612 = arith.andi %eq3A_610, %lt3A_611 : vector<16xi1>
    %or3A_613 = arith.ori %gt3A_609, %and3A_612 : vector<16xi1>
    %select_n3A_614 = arith.select %or3A_613, %parallel_loop3A_552#4, %select_n3A_600 : vector<16xi1>, vector<16xf32>
    %select_n3A_615 = arith.select %or3A_613, %add3A_608, %select_n3A_601 : vector<16xi1>, vector<16xi32>
    %mul3A_616 = arith.constant 128 : i32
    %mul3A_617 = vector.broadcast %mul3A_616 : i32 to vector<16xi32>
    %mul3A_618 = arith.muli %parallel_loop3A_552#13, %mul3A_617 : vector<16xi32>
    %add3A_619 = arith.constant 80 : i32
    %add3A_620 = vector.broadcast %add3A_619 : i32 to vector<16xi32>
    %add3A_621 = arith.addi %add3A_620, %iota3A : vector<16xi32>
    %add3A_622 = arith.addi %mul3A_618, %add3A_621 : vector<16xi32>
    %gt3A_623 = arith.cmpf ogt, %parallel_loop3A_552#5, %select_n3A_614 : vector<16xf32>
    %eq3A_624 = arith.cmpf oeq, %parallel_loop3A_552#5, %select_n3A_614 : vector<16xf32>
    %lt3A_625 = arith.cmpi slt, %add3A_622, %select_n3A_615 : vector<16xi32>
    %and3A_626 = arith.andi %eq3A_624, %lt3A_625 : vector<16xi1>
    %or3A_627 = arith.ori %gt3A_623, %and3A_626 : vector<16xi1>
    %select_n3A_628 = arith.select %or3A_627, %parallel_loop3A_552#5, %select_n3A_614 : vector<16xi1>, vector<16xf32>
    %select_n3A_629 = arith.select %or3A_627, %add3A_622, %select_n3A_615 : vector<16xi1>, vector<16xi32>
    %mul3A_630 = arith.constant 128 : i32
    %mul3A_631 = vector.broadcast %mul3A_630 : i32 to vector<16xi32>
    %mul3A_632 = arith.muli %parallel_loop3A_552#14, %mul3A_631 : vector<16xi32>
    %add3A_633 = arith.constant 96 : i32
    %add3A_634 = vector.broadcast %add3A_633 : i32 to vector<16xi32>
    %add3A_635 = arith.addi %add3A_634, %iota3A : vector<16xi32>
    %add3A_636 = arith.addi %mul3A_632, %add3A_635 : vector<16xi32>
    %gt3A_637 = arith.cmpf ogt, %parallel_loop3A_552#6, %select_n3A_628 : vector<16xf32>
    %eq3A_638 = arith.cmpf oeq, %parallel_loop3A_552#6, %select_n3A_628 : vector<16xf32>
    %lt3A_639 = arith.cmpi slt, %add3A_636, %select_n3A_629 : vector<16xi32>
    %and3A_640 = arith.andi %eq3A_638, %lt3A_639 : vector<16xi1>
    %or3A_641 = arith.ori %gt3A_637, %and3A_640 : vector<16xi1>
    %select_n3A_642 = arith.select %or3A_641, %parallel_loop3A_552#6, %select_n3A_628 : vector<16xi1>, vector<16xf32>
    %select_n3A_643 = arith.select %or3A_641, %add3A_636, %select_n3A_629 : vector<16xi1>, vector<16xi32>
    %mul3A_644 = arith.constant 128 : i32
    %mul3A_645 = vector.broadcast %mul3A_644 : i32 to vector<16xi32>
    %mul3A_646 = arith.muli %parallel_loop3A_552#15, %mul3A_645 : vector<16xi32>
    %add3A_647 = arith.constant 112 : i32
    %add3A_648 = vector.broadcast %add3A_647 : i32 to vector<16xi32>
    %add3A_649 = arith.addi %add3A_648, %iota3A : vector<16xi32>
    %add3A_650 = arith.addi %mul3A_646, %add3A_649 : vector<16xi32>
    %gt3A_651 = arith.cmpf ogt, %parallel_loop3A_552#7, %select_n3A_642 : vector<16xf32>
    %eq3A_652 = arith.cmpf oeq, %parallel_loop3A_552#7, %select_n3A_642 : vector<16xf32>
    %lt3A_653 = arith.cmpi slt, %add3A_650, %select_n3A_643 : vector<16xi32>
    %and3A_654 = arith.andi %eq3A_652, %lt3A_653 : vector<16xi1>
    %or3A_655 = arith.ori %gt3A_651, %and3A_654 : vector<16xi1>
    %select_n3A_656 = arith.select %or3A_655, %parallel_loop3A_552#7, %select_n3A_642 : vector<16xi1>, vector<16xf32>
    %select_n3A_657 = arith.select %or3A_655, %add3A_650, %select_n3A_643 : vector<16xi1>, vector<16xi32>
    %xor3A_658 = arith.constant 8 : i32
    %xor3A_659 = vector.broadcast %xor3A_658 : i32 to vector<16xi32>
    %xor3A_660 = arith.xori %iota3A, %xor3A_659 : vector<16xi32>
    %broadcast_in_dim3A_661 = vector.shape_cast %xor3A_660 : vector<16xi32> to vector<16x1xi32>
    %gather3A_662 = vector.shape_cast %broadcast_in_dim3A_661 : vector<16x1xi32> to vector<16xi32>
    %gather3A_663 = tpu.dynamic_gather %select_n3A_656[%gather3A_662] in [0] : vector<16xf32>, vector<16xi32> -> vector<16xf32>
    %broadcast_in_dim3A_664 = vector.shape_cast %xor3A_660 : vector<16xi32> to vector<16x1xi32>
    %gather3A_665 = vector.shape_cast %broadcast_in_dim3A_664 : vector<16x1xi32> to vector<16xi32>
    %gather3A_666 = tpu.dynamic_gather %select_n3A_657[%gather3A_665] in [0] : vector<16xi32>, vector<16xi32> -> vector<16xi32>
    %gt3A_667 = arith.cmpf ogt, %gather3A_663, %select_n3A_656 : vector<16xf32>
    %eq3A_668 = arith.cmpf oeq, %gather3A_663, %select_n3A_656 : vector<16xf32>
    %lt3A_669 = arith.cmpi slt, %gather3A_666, %select_n3A_657 : vector<16xi32>
    %and3A_670 = arith.andi %eq3A_668, %lt3A_669 : vector<16xi1>
    %or3A_671 = arith.ori %gt3A_667, %and3A_670 : vector<16xi1>
    %select_n3A_672 = arith.select %or3A_671, %gather3A_663, %select_n3A_656 : vector<16xi1>, vector<16xf32>
    %select_n3A_673 = arith.select %or3A_671, %gather3A_666, %select_n3A_657 : vector<16xi1>, vector<16xi32>
    %xor3A_674 = arith.constant 4 : i32
    %xor3A_675 = vector.broadcast %xor3A_674 : i32 to vector<16xi32>
    %xor3A_676 = arith.xori %iota3A, %xor3A_675 : vector<16xi32>
    %broadcast_in_dim3A_677 = vector.shape_cast %xor3A_676 : vector<16xi32> to vector<16x1xi32>
    %gather3A_678 = vector.shape_cast %broadcast_in_dim3A_677 : vector<16x1xi32> to vector<16xi32>
    %gather3A_679 = tpu.dynamic_gather %select_n3A_672[%gather3A_678] in [0] : vector<16xf32>, vector<16xi32> -> vector<16xf32>
    %broadcast_in_dim3A_680 = vector.shape_cast %xor3A_676 : vector<16xi32> to vector<16x1xi32>
    %gather3A_681 = vector.shape_cast %broadcast_in_dim3A_680 : vector<16x1xi32> to vector<16xi32>
    %gather3A_682 = tpu.dynamic_gather %select_n3A_673[%gather3A_681] in [0] : vector<16xi32>, vector<16xi32> -> vector<16xi32>
    %gt3A_683 = arith.cmpf ogt, %gather3A_679, %select_n3A_672 : vector<16xf32>
    %eq3A_684 = arith.cmpf oeq, %gather3A_679, %select_n3A_672 : vector<16xf32>
    %lt3A_685 = arith.cmpi slt, %gather3A_682, %select_n3A_673 : vector<16xi32>
    %and3A_686 = arith.andi %eq3A_684, %lt3A_685 : vector<16xi1>
    %or3A_687 = arith.ori %gt3A_683, %and3A_686 : vector<16xi1>
    %select_n3A_688 = arith.select %or3A_687, %gather3A_679, %select_n3A_672 : vector<16xi1>, vector<16xf32>
    %select_n3A_689 = arith.select %or3A_687, %gather3A_682, %select_n3A_673 : vector<16xi1>, vector<16xi32>
    %xor3A_690 = arith.constant 2 : i32
    %xor3A_691 = vector.broadcast %xor3A_690 : i32 to vector<16xi32>
    %xor3A_692 = arith.xori %iota3A, %xor3A_691 : vector<16xi32>
    %broadcast_in_dim3A_693 = vector.shape_cast %xor3A_692 : vector<16xi32> to vector<16x1xi32>
    %gather3A_694 = vector.shape_cast %broadcast_in_dim3A_693 : vector<16x1xi32> to vector<16xi32>
    %gather3A_695 = tpu.dynamic_gather %select_n3A_688[%gather3A_694] in [0] : vector<16xf32>, vector<16xi32> -> vector<16xf32>
    %broadcast_in_dim3A_696 = vector.shape_cast %xor3A_692 : vector<16xi32> to vector<16x1xi32>
    %gather3A_697 = vector.shape_cast %broadcast_in_dim3A_696 : vector<16x1xi32> to vector<16xi32>
    %gather3A_698 = tpu.dynamic_gather %select_n3A_689[%gather3A_697] in [0] : vector<16xi32>, vector<16xi32> -> vector<16xi32>
    %gt3A_699 = arith.cmpf ogt, %gather3A_695, %select_n3A_688 : vector<16xf32>
    %eq3A_700 = arith.cmpf oeq, %gather3A_695, %select_n3A_688 : vector<16xf32>
    %lt3A_701 = arith.cmpi slt, %gather3A_698, %select_n3A_689 : vector<16xi32>
    %and3A_702 = arith.andi %eq3A_700, %lt3A_701 : vector<16xi1>
    %or3A_703 = arith.ori %gt3A_699, %and3A_702 : vector<16xi1>
    %select_n3A_704 = arith.select %or3A_703, %gather3A_695, %select_n3A_688 : vector<16xi1>, vector<16xf32>
    %select_n3A_705 = arith.select %or3A_703, %gather3A_698, %select_n3A_689 : vector<16xi1>, vector<16xi32>
    %xor3A_706 = arith.constant 1 : i32
    %xor3A_707 = vector.broadcast %xor3A_706 : i32 to vector<16xi32>
    %xor3A_708 = arith.xori %iota3A, %xor3A_707 : vector<16xi32>
    %broadcast_in_dim3A_709 = vector.shape_cast %xor3A_708 : vector<16xi32> to vector<16x1xi32>
    %gather3A_710 = vector.shape_cast %broadcast_in_dim3A_709 : vector<16x1xi32> to vector<16xi32>
    %gather3A_711 = tpu.dynamic_gather %select_n3A_704[%gather3A_710] in [0] : vector<16xf32>, vector<16xi32> -> vector<16xf32>
    %broadcast_in_dim3A_712 = vector.shape_cast %xor3A_708 : vector<16xi32> to vector<16x1xi32>
    %gather3A_713 = vector.shape_cast %broadcast_in_dim3A_712 : vector<16x1xi32> to vector<16xi32>
    %gather3A_714 = tpu.dynamic_gather %select_n3A_705[%gather3A_713] in [0] : vector<16xi32>, vector<16xi32> -> vector<16xi32>
    %gt3A_715 = arith.cmpf ogt, %gather3A_711, %select_n3A_704 : vector<16xf32>
    %eq3A_716 = arith.cmpf oeq, %gather3A_711, %select_n3A_704 : vector<16xf32>
    %lt3A_717 = arith.cmpi slt, %gather3A_714, %select_n3A_705 : vector<16xi32>
    %and3A_718 = arith.andi %eq3A_716, %lt3A_717 : vector<16xi1>
    %or3A_719 = arith.ori %gt3A_715, %and3A_718 : vector<16xi1>
    %select_n3A_720 = arith.select %or3A_719, %gather3A_711, %select_n3A_704 : vector<16xi1>, vector<16xf32>
    %select_n3A_721 = arith.select %or3A_719, %gather3A_714, %select_n3A_705 : vector<16xi1>, vector<16xi32>
    %swap3A_722 = arith.constant 2 : i32
    %swap3A_723 = arith.index_cast %swap3A_722 : i32 to index
    %swap3A_724 = arith.constant 0 : index
    %swap3A_725 = tpu.vector_load %arg8[%swap3A_723, %swap3A_724] {strides = array<i32>} : memref<4x16xi32, #tpu.memory_space<vmem>>, vector<1x16xi32>,
    %swap3A_726 = vector.shape_cast %swap3A_725 : vector<1x16xi32> to vector<16xi32>
    %swap3A_727 = vector.shape_cast %select_n3A_721 : vector<16xi32> to vector<1x16xi32>
    tpu.vector_store %arg8[%swap3A_723, %swap3A_724], %swap3A_727 {strides = array<i32>} : memref<4x16xi32, #tpu.memory_space<vmem>>, vector<1x16xi32>,
    %dma_wait3A_728 = arith.constant 0 : i32
    %dma_wait3A_729 = tpu.memref_slice %arg5[%dma_wait3A_728] : memref<32896xf32, #tpu.memory_space<vmem>> -> memref<32768xf32, #tpu.memory_space<vmem>>
    %dma_wait3A_730 = arith.constant 0 : i32
    %dma_wait3A_731 = tpu.memref_slice %arg2[%add3A_488, %dma_wait3A_730] : memref<128x32768xf32, #tpu.memory_space<hbm>> -> memref<1x32768xf32, #tpu.memory_space<hbm>>
    %dma_wait3A_732 = tpu.memref_squeeze %dma_wait3A_731 : memref<1x32768xf32, #tpu.memory_space<hbm>> -> memref<32768xf32, #tpu.memory_space<hbm>>
    %dma_wait3A_733 = arith.constant 0 : i32
    %dma_wait3A_734 = tpu.memref_slice %arg5[%dma_wait3A_733] : memref<32896xf32, #tpu.memory_space<vmem>> -> memref<32768xf32, #tpu.memory_space<vmem>>
    %dma_wait3A_735 = arith.constant 0 : i32
    %dma_wait3A_736 = tpu.memref_slice %arg2[%add3A_488, %dma_wait3A_735] : memref<128x32768xf32, #tpu.memory_space<hbm>> -> memref<1x32768xf32, #tpu.memory_space<hbm>>
    %dma_wait3A_737 = tpu.memref_squeeze %dma_wait3A_736 : memref<1x32768xf32, #tpu.memory_space<hbm>> -> memref<32768xf32, #tpu.memory_space<hbm>>
    tpu.wait_dma2 semaphore(%arg7 : memref<!tpu.dma_semaphore, #tpu.memory_space<semaphore_mem>>) src(%dma_wait3A_737 : memref<32768xf32, #tpu.memory_space<hbm>>) dst(%dma_wait3A_734 : memref<32768xf32, #tpu.memory_space<vmem>>)
    %get3A_738 = arith.constant 0 : index
    %get3A_739 = tpu.vector_load %arg5[%get3A_738] {strides = array<i32>} : memref<32896xf32, #tpu.memory_space<vmem>>, vector<16xf32>,
    %get3A_740 = vector.shape_cast %get3A_739 : vector<16xf32> to vector<16xf32>
    %get3A_741 = arith.constant 16 : index
    %get3A_742 = tpu.vector_load %arg5[%get3A_741] {strides = array<i32>} : memref<32896xf32, #tpu.memory_space<vmem>>, vector<16xf32>,
    %get3A_743 = vector.shape_cast %get3A_742 : vector<16xf32> to vector<16xf32>
    %get3A_744 = arith.constant 32 : index
    %get3A_745 = tpu.vector_load %arg5[%get3A_744] {strides = array<i32>} : memref<32896xf32, #tpu.memory_space<vmem>>, vector<16xf32>,
    %get3A_746 = vector.shape_cast %get3A_745 : vector<16xf32> to vector<16xf32>
    %get3A_747 = arith.constant 48 : index
    %get3A_748 = tpu.vector_load %arg5[%get3A_747] {strides = array<i32>} : memref<32896xf32, #tpu.memory_space<vmem>>, vector<16xf32>,
    %get3A_749 = vector.shape_cast %get3A_748 : vector<16xf32> to vector<16xf32>
    %get3A_750 = arith.constant 64 : index
    %get3A_751 = tpu.vector_load %arg5[%get3A_750] {strides = array<i32>} : memref<32896xf32, #tpu.memory_space<vmem>>, vector<16xf32>,
    %get3A_752 = vector.shape_cast %get3A_751 : vector<16xf32> to vector<16xf32>
    %get3A_753 = arith.constant 80 : index
    %get3A_754 = tpu.vector_load %arg5[%get3A_753] {strides = array<i32>} : memref<32896xf32, #tpu.memory_space<vmem>>, vector<16xf32>,
    %get3A_755 = vector.shape_cast %get3A_754 : vector<16xf32> to vector<16xf32>
    %get3A_756 = arith.constant 96 : index
    %get3A_757 = tpu.vector_load %arg5[%get3A_756] {strides = array<i32>} : memref<32896xf32, #tpu.memory_space<vmem>>, vector<16xf32>,
    %get3A_758 = vector.shape_cast %get3A_757 : vector<16xf32> to vector<16xf32>
    %get3A_759 = arith.constant 112 : index
    %get3A_760 = tpu.vector_load %arg5[%get3A_759] {strides = array<i32>} : memref<32896xf32, #tpu.memory_space<vmem>>, vector<16xf32>,
    %get3A_761 = vector.shape_cast %get3A_760 : vector<16xf32> to vector<16xf32>
    %broadcast_in_dim3A_762 = arith.constant 0xFF800000 : f32
    %broadcast_in_dim3A_763 = vector.broadcast %broadcast_in_dim3A_762 : f32 to vector<16xf32>
    %broadcast_in_dim3A_764 = arith.constant 0xFF800000 : f32
    %broadcast_in_dim3A_765 = vector.broadcast %broadcast_in_dim3A_764 : f32 to vector<16xf32>
    %broadcast_in_dim3A_766 = arith.constant 0xFF800000 : f32
    %broadcast_in_dim3A_767 = vector.broadcast %broadcast_in_dim3A_766 : f32 to vector<16xf32>
    %broadcast_in_dim3A_768 = arith.constant 0xFF800000 : f32
    %broadcast_in_dim3A_769 = vector.broadcast %broadcast_in_dim3A_768 : f32 to vector<16xf32>
    %broadcast_in_dim3A_770 = arith.constant 0xFF800000 : f32
    %broadcast_in_dim3A_771 = vector.broadcast %broadcast_in_dim3A_770 : f32 to vector<16xf32>
    %broadcast_in_dim3A_772 = arith.constant 0xFF800000 : f32
    %broadcast_in_dim3A_773 = vector.broadcast %broadcast_in_dim3A_772 : f32 to vector<16xf32>
    %broadcast_in_dim3A_774 = arith.constant 0xFF800000 : f32
    %broadcast_in_dim3A_775 = vector.broadcast %broadcast_in_dim3A_774 : f32 to vector<16xf32>
    %broadcast_in_dim3A_776 = arith.constant 0xFF800000 : f32
    %broadcast_in_dim3A_777 = vector.broadcast %broadcast_in_dim3A_776 : f32 to vector<16xf32>
    %parallel_loop3A_778 = arith.constant 0 : i32
    %parallel_loop3A_779 = arith.constant 256 : i32
    %parallel_loop3A_780 = arith.constant 1 : i32
    %parallel_loop3A_781:24 = scf.for %parallel_loop3A_957 = %parallel_loop3A_778 to %parallel_loop3A_779 step %parallel_loop3A_780 iter_args(%parallel_loop3A_958 = %broadcast_in_dim3A_763, %parallel_loop3A_959 = %broadcast_in_dim3A_765, %parallel_loop3A_960 = %broadcast_in_dim3A_767, %parallel_loop3A_961 = %broadcast_in_dim3A_769, %parallel_loop3A_962 = %broadcast_in_dim3A_771, %parallel_loop3A_963 = %broadcast_in_dim3A_773, %parallel_loop3A_964 = %broadcast_in_dim3A_775, %parallel_loop3A_965 = %broadcast_in_dim3A_777, %parallel_loop3A_966 = %iota3A, %parallel_loop3A_967 = %iota3A, %parallel_loop3A_968 = %iota3A, %parallel_loop3A_969 = %iota3A, %parallel_loop3A_970 = %iota3A, %parallel_loop3A_971 = %iota3A, %parallel_loop3A_972 = %iota3A, %parallel_loop3A_973 = %iota3A, %parallel_loop3A_974 = %get3A_740, %parallel_loop3A_975 = %get3A_743, %parallel_loop3A_976 = %get3A_746, %parallel_loop3A_977 = %get3A_749, %parallel_loop3A_978 = %get3A_752, %parallel_loop3A_979 = %get3A_755, %parallel_loop3A_980 = %get3A_758, %parallel_loop3A_981 = %get3A_761) -> (vector<16xf32>, vector<16xf32>, vector<16xf32>, vector<16xf32>, vector<16xf32>, vector<16xf32>, vector<16xf32>, vector<16xf32>, vector<16xi32>, vector<16xi32>, vector<16xi32>, vector<16xi32>, vector<16xi32>, vector<16xi32>, vector<16xi32>, vector<16xi32>, vector<16xf32>, vector<16xf32>, vector<16xf32>, vector<16xf32>, vector<16xf32>, vector<16xf32>, vector<16xf32>, vector<16xf32>)  : i32 {
      %parallel_loop3A_982 = arith.constant 1 : i32
      %parallel_loop3A_983 = arith.addi %parallel_loop3A_957, %parallel_loop3A_982 : i32
      %parallel_loop3A_984 = arith.constant 128 : i32
      %parallel_loop3A_985 = arith.muli %parallel_loop3A_983, %parallel_loop3A_984 : i32
      %parallel_loop3A_986 = arith.constant 0 : i32
      %parallel_loop3A_987 = arith.addi %parallel_loop3A_985, %parallel_loop3A_986 : i32
      %parallel_loop3A_988 = arith.index_cast %parallel_loop3A_987 : i32 to index
      %parallel_loop3A_989 = tpu.vector_load %arg5[%parallel_loop3A_988] {strides = array<i32>} : memref<32896xf32, #tpu.memory_space<vmem>>, vector<16xf32>,
      %parallel_loop3A_990 = vector.shape_cast %parallel_loop3A_989 : vector<16xf32> to vector<16xf32>
      %parallel_loop3A_991 = arith.constant 16 : i32
      %parallel_loop3A_992 = arith.addi %parallel_loop3A_985, %parallel_loop3A_991 : i32
      %parallel_loop3A_993 = arith.index_cast %parallel_loop3A_992 : i32 to index
      %parallel_loop3A_994 = tpu.vector_load %arg5[%parallel_loop3A_993] {strides = array<i32>} : memref<32896xf32, #tpu.memory_space<vmem>>, vector<16xf32>,
      %parallel_loop3A_995 = vector.shape_cast %parallel_loop3A_994 : vector<16xf32> to vector<16xf32>
      %parallel_loop3A_996 = arith.constant 32 : i32
      %parallel_loop3A_997 = arith.addi %parallel_loop3A_985, %parallel_loop3A_996 : i32
      %parallel_loop3A_998 = arith.index_cast %parallel_loop3A_997 : i32 to index
      %parallel_loop3A_999 = tpu.vector_load %arg5[%parallel_loop3A_998] {strides = array<i32>} : memref<32896xf32, #tpu.memory_space<vmem>>, vector<16xf32>,
      %parallel_loop3A_1000 = vector.shape_cast %parallel_loop3A_999 : vector<16xf32> to vector<16xf32>
      %parallel_loop3A_1001 = arith.constant 48 : i32
      %parallel_loop3A_1002 = arith.addi %parallel_loop3A_985, %parallel_loop3A_1001 : i32
      %parallel_loop3A_1003 = arith.index_cast %parallel_loop3A_1002 : i32 to index
      %parallel_loop3A_1004 = tpu.vector_load %arg5[%parallel_loop3A_1003] {strides = array<i32>} : memref<32896xf32, #tpu.memory_space<vmem>>, vector<16xf32>,
      %parallel_loop3A_1005 = vector.shape_cast %parallel_loop3A_1004 : vector<16xf32> to vector<16xf32>
      %parallel_loop3A_1006 = arith.constant 64 : i32
      %parallel_loop3A_1007 = arith.addi %parallel_loop3A_985, %parallel_loop3A_1006 : i32
      %parallel_loop3A_1008 = arith.index_cast %parallel_loop3A_1007 : i32 to index
      %parallel_loop3A_1009 = tpu.vector_load %arg5[%parallel_loop3A_1008] {strides = array<i32>} : memref<32896xf32, #tpu.memory_space<vmem>>, vector<16xf32>,
      %parallel_loop3A_1010 = vector.shape_cast %parallel_loop3A_1009 : vector<16xf32> to vector<16xf32>
      %parallel_loop3A_1011 = arith.constant 80 : i32
      %parallel_loop3A_1012 = arith.addi %parallel_loop3A_985, %parallel_loop3A_1011 : i32
      %parallel_loop3A_1013 = arith.index_cast %parallel_loop3A_1012 : i32 to index
      %parallel_loop3A_1014 = tpu.vector_load %arg5[%parallel_loop3A_1013] {strides = array<i32>} : memref<32896xf32, #tpu.memory_space<vmem>>, vector<16xf32>,
      %parallel_loop3A_1015 = vector.shape_cast %parallel_loop3A_1014 : vector<16xf32> to vector<16xf32>
      %parallel_loop3A_1016 = arith.constant 96 : i32
      %parallel_loop3A_1017 = arith.addi %parallel_loop3A_985, %parallel_loop3A_1016 : i32
      %parallel_loop3A_1018 = arith.index_cast %parallel_loop3A_1017 : i32 to index
      %parallel_loop3A_1019 = tpu.vector_load %arg5[%parallel_loop3A_1018] {strides = array<i32>} : memref<32896xf32, #tpu.memory_space<vmem>>, vector<16xf32>,
      %parallel_loop3A_1020 = vector.shape_cast %parallel_loop3A_1019 : vector<16xf32> to vector<16xf32>
      %parallel_loop3A_1021 = arith.constant 112 : i32
      %parallel_loop3A_1022 = arith.addi %parallel_loop3A_985, %parallel_loop3A_1021 : i32
      %parallel_loop3A_1023 = arith.index_cast %parallel_loop3A_1022 : i32 to index
      %parallel_loop3A_1024 = tpu.vector_load %arg5[%parallel_loop3A_1023] {strides = array<i32>} : memref<32896xf32, #tpu.memory_space<vmem>>, vector<16xf32>,
      %parallel_loop3A_1025 = vector.shape_cast %parallel_loop3A_1024 : vector<16xf32> to vector<16xf32>
      %parallel_loop3A_1026 = arith.cmpf ogt, %parallel_loop3A_974, %parallel_loop3A_958 : vector<16xf32>
      %parallel_loop3A_1027 = arith.maximumf %parallel_loop3A_958, %parallel_loop3A_974 : vector<16xf32>
      %parallel_loop3A_1028 = vector.broadcast %parallel_loop3A_957 : i32 to vector<16xi32>
      %parallel_loop3A_1029 = arith.select %parallel_loop3A_1026, %parallel_loop3A_1028, %parallel_loop3A_966 : vector<16xi1>, vector<16xi32>
      %parallel_loop3A_1030 = arith.cmpf ogt, %parallel_loop3A_975, %parallel_loop3A_959 : vector<16xf32>
      %parallel_loop3A_1031 = arith.maximumf %parallel_loop3A_959, %parallel_loop3A_975 : vector<16xf32>
      %parallel_loop3A_1032 = vector.broadcast %parallel_loop3A_957 : i32 to vector<16xi32>
      %parallel_loop3A_1033 = arith.select %parallel_loop3A_1030, %parallel_loop3A_1032, %parallel_loop3A_967 : vector<16xi1>, vector<16xi32>
      %parallel_loop3A_1034 = arith.cmpf ogt, %parallel_loop3A_976, %parallel_loop3A_960 : vector<16xf32>
      %parallel_loop3A_1035 = arith.maximumf %parallel_loop3A_960, %parallel_loop3A_976 : vector<16xf32>
      %parallel_loop3A_1036 = vector.broadcast %parallel_loop3A_957 : i32 to vector<16xi32>
      %parallel_loop3A_1037 = arith.select %parallel_loop3A_1034, %parallel_loop3A_1036, %parallel_loop3A_968 : vector<16xi1>, vector<16xi32>
      %parallel_loop3A_1038 = arith.cmpf ogt, %parallel_loop3A_977, %parallel_loop3A_961 : vector<16xf32>
      %parallel_loop3A_1039 = arith.maximumf %parallel_loop3A_961, %parallel_loop3A_977 : vector<16xf32>
      %parallel_loop3A_1040 = vector.broadcast %parallel_loop3A_957 : i32 to vector<16xi32>
      %parallel_loop3A_1041 = arith.select %parallel_loop3A_1038, %parallel_loop3A_1040, %parallel_loop3A_969 : vector<16xi1>, vector<16xi32>
      %parallel_loop3A_1042 = arith.cmpf ogt, %parallel_loop3A_978, %parallel_loop3A_962 : vector<16xf32>
      %parallel_loop3A_1043 = arith.maximumf %parallel_loop3A_962, %parallel_loop3A_978 : vector<16xf32>
      %parallel_loop3A_1044 = vector.broadcast %parallel_loop3A_957 : i32 to vector<16xi32>
      %parallel_loop3A_1045 = arith.select %parallel_loop3A_1042, %parallel_loop3A_1044, %parallel_loop3A_970 : vector<16xi1>, vector<16xi32>
      %parallel_loop3A_1046 = arith.cmpf ogt, %parallel_loop3A_979, %parallel_loop3A_963 : vector<16xf32>
      %parallel_loop3A_1047 = arith.maximumf %parallel_loop3A_963, %parallel_loop3A_979 : vector<16xf32>
      %parallel_loop3A_1048 = vector.broadcast %parallel_loop3A_957 : i32 to vector<16xi32>
      %parallel_loop3A_1049 = arith.select %parallel_loop3A_1046, %parallel_loop3A_1048, %parallel_loop3A_971 : vector<16xi1>, vector<16xi32>
      %parallel_loop3A_1050 = arith.cmpf ogt, %parallel_loop3A_980, %parallel_loop3A_964 : vector<16xf32>
      %parallel_loop3A_1051 = arith.maximumf %parallel_loop3A_964, %parallel_loop3A_980 : vector<16xf32>
      %parallel_loop3A_1052 = vector.broadcast %parallel_loop3A_957 : i32 to vector<16xi32>
      %parallel_loop3A_1053 = arith.select %parallel_loop3A_1050, %parallel_loop3A_1052, %parallel_loop3A_972 : vector<16xi1>, vector<16xi32>
      %parallel_loop3A_1054 = arith.cmpf ogt, %parallel_loop3A_981, %parallel_loop3A_965 : vector<16xf32>
      %parallel_loop3A_1055 = arith.maximumf %parallel_loop3A_965, %parallel_loop3A_981 : vector<16xf32>
      %parallel_loop3A_1056 = vector.broadcast %parallel_loop3A_957 : i32 to vector<16xi32>
      %parallel_loop3A_1057 = arith.select %parallel_loop3A_1054, %parallel_loop3A_1056, %parallel_loop3A_973 : vector<16xi1>, vector<16xi32>
      scf.yield %parallel_loop3A_1027, %parallel_loop3A_1031, %parallel_loop3A_1035, %parallel_loop3A_1039, %parallel_loop3A_1043, %parallel_loop3A_1047, %parallel_loop3A_1051, %parallel_loop3A_1055, %parallel_loop3A_1029, %parallel_loop3A_1033, %parallel_loop3A_1037, %parallel_loop3A_1041, %parallel_loop3A_1045, %parallel_loop3A_1049, %parallel_loop3A_1053, %parallel_loop3A_1057, %parallel_loop3A_990, %parallel_loop3A_995, %parallel_loop3A_1000, %parallel_loop3A_1005, %parallel_loop3A_1010, %parallel_loop3A_1015, %parallel_loop3A_1020, %parallel_loop3A_1025 : vector<16xf32>, vector<16xf32>, vector<16xf32>, vector<16xf32>, vector<16xf32>, vector<16xf32>, vector<16xf32>, vector<16xf32>, vector<16xi32>, vector<16xi32>, vector<16xi32>, vector<16xi32>, vector<16xi32>, vector<16xi32>, vector<16xi32>, vector<16xi32>, vector<16xf32>, vector<16xf32>, vector<16xf32>, vector<16xf32>, vector<16xf32>, vector<16xf32>, vector<16xf32>, vector<16xf32>
    } {sc.loop_unroll_factor = 1 : i64, sc.parallel_access}
    %mul3A_782 = arith.constant 128 : i32
    %mul3A_783 = vector.broadcast %mul3A_782 : i32 to vector<16xi32>
    %mul3A_784 = arith.muli %parallel_loop3A_781#8, %mul3A_783 : vector<16xi32>
    %add3A_785 = arith.constant 0 : i32
    %add3A_786 = vector.broadcast %add3A_785 : i32 to vector<16xi32>
    %add3A_787 = arith.addi %add3A_786, %iota3A : vector<16xi32>
    %add3A_788 = arith.addi %mul3A_784, %add3A_787 : vector<16xi32>
    %mul3A_789 = arith.constant 128 : i32
    %mul3A_790 = vector.broadcast %mul3A_789 : i32 to vector<16xi32>
    %mul3A_791 = arith.muli %parallel_loop3A_781#9, %mul3A_790 : vector<16xi32>
    %add3A_792 = arith.constant 16 : i32
    %add3A_793 = vector.broadcast %add3A_792 : i32 to vector<16xi32>
    %add3A_794 = arith.addi %add3A_793, %iota3A : vector<16xi32>
    %add3A_795 = arith.addi %mul3A_791, %add3A_794 : vector<16xi32>
    %gt3A_796 = arith.cmpf ogt, %parallel_loop3A_781#1, %parallel_loop3A_781#0 : vector<16xf32>
    %eq3A_797 = arith.cmpf oeq, %parallel_loop3A_781#1, %parallel_loop3A_781#0 : vector<16xf32>
    %lt3A_798 = arith.cmpi slt, %add3A_795, %add3A_788 : vector<16xi32>
    %and3A_799 = arith.andi %eq3A_797, %lt3A_798 : vector<16xi1>
    %or3A_800 = arith.ori %gt3A_796, %and3A_799 : vector<16xi1>
    %select_n3A_801 = arith.select %or3A_800, %parallel_loop3A_781#1, %parallel_loop3A_781#0 : vector<16xi1>, vector<16xf32>
    %select_n3A_802 = arith.select %or3A_800, %add3A_795, %add3A_788 : vector<16xi1>, vector<16xi32>
    %mul3A_803 = arith.constant 128 : i32
    %mul3A_804 = vector.broadcast %mul3A_803 : i32 to vector<16xi32>
    %mul3A_805 = arith.muli %parallel_loop3A_781#10, %mul3A_804 : vector<16xi32>
    %add3A_806 = arith.constant 32 : i32
    %add3A_807 = vector.broadcast %add3A_806 : i32 to vector<16xi32>
    %add3A_808 = arith.addi %add3A_807, %iota3A : vector<16xi32>
    %add3A_809 = arith.addi %mul3A_805, %add3A_808 : vector<16xi32>
    %gt3A_810 = arith.cmpf ogt, %parallel_loop3A_781#2, %select_n3A_801 : vector<16xf32>
    %eq3A_811 = arith.cmpf oeq, %parallel_loop3A_781#2, %select_n3A_801 : vector<16xf32>
    %lt3A_812 = arith.cmpi slt, %add3A_809, %select_n3A_802 : vector<16xi32>
    %and3A_813 = arith.andi %eq3A_811, %lt3A_812 : vector<16xi1>
    %or3A_814 = arith.ori %gt3A_810, %and3A_813 : vector<16xi1>
    %select_n3A_815 = arith.select %or3A_814, %parallel_loop3A_781#2, %select_n3A_801 : vector<16xi1>, vector<16xf32>
    %select_n3A_816 = arith.select %or3A_814, %add3A_809, %select_n3A_802 : vector<16xi1>, vector<16xi32>
    %mul3A_817 = arith.constant 128 : i32
    %mul3A_818 = vector.broadcast %mul3A_817 : i32 to vector<16xi32>
    %mul3A_819 = arith.muli %parallel_loop3A_781#11, %mul3A_818 : vector<16xi32>
    %add3A_820 = arith.constant 48 : i32
    %add3A_821 = vector.broadcast %add3A_820 : i32 to vector<16xi32>
    %add3A_822 = arith.addi %add3A_821, %iota3A : vector<16xi32>
    %add3A_823 = arith.addi %mul3A_819, %add3A_822 : vector<16xi32>
    %gt3A_824 = arith.cmpf ogt, %parallel_loop3A_781#3, %select_n3A_815 : vector<16xf32>
    %eq3A_825 = arith.cmpf oeq, %parallel_loop3A_781#3, %select_n3A_815 : vector<16xf32>
    %lt3A_826 = arith.cmpi slt, %add3A_823, %select_n3A_816 : vector<16xi32>
    %and3A_827 = arith.andi %eq3A_825, %lt3A_826 : vector<16xi1>
    %or3A_828 = arith.ori %gt3A_824, %and3A_827 : vector<16xi1>
    %select_n3A_829 = arith.select %or3A_828, %parallel_loop3A_781#3, %select_n3A_815 : vector<16xi1>, vector<16xf32>
    %select_n3A_830 = arith.select %or3A_828, %add3A_823, %select_n3A_816 : vector<16xi1>, vector<16xi32>
    %mul3A_831 = arith.constant 128 : i32
    %mul3A_832 = vector.broadcast %mul3A_831 : i32 to vector<16xi32>
    %mul3A_833 = arith.muli %parallel_loop3A_781#12, %mul3A_832 : vector<16xi32>
    %add3A_834 = arith.constant 64 : i32
    %add3A_835 = vector.broadcast %add3A_834 : i32 to vector<16xi32>
    %add3A_836 = arith.addi %add3A_835, %iota3A : vector<16xi32>
    %add3A_837 = arith.addi %mul3A_833, %add3A_836 : vector<16xi32>
    %gt3A_838 = arith.cmpf ogt, %parallel_loop3A_781#4, %select_n3A_829 : vector<16xf32>
    %eq3A_839 = arith.cmpf oeq, %parallel_loop3A_781#4, %select_n3A_829 : vector<16xf32>
    %lt3A_840 = arith.cmpi slt, %add3A_837, %select_n3A_830 : vector<16xi32>
    %and3A_841 = arith.andi %eq3A_839, %lt3A_840 : vector<16xi1>
    %or3A_842 = arith.ori %gt3A_838, %and3A_841 : vector<16xi1>
    %select_n3A_843 = arith.select %or3A_842, %parallel_loop3A_781#4, %select_n3A_829 : vector<16xi1>, vector<16xf32>
    %select_n3A_844 = arith.select %or3A_842, %add3A_837, %select_n3A_830 : vector<16xi1>, vector<16xi32>
    %mul3A_845 = arith.constant 128 : i32
    %mul3A_846 = vector.broadcast %mul3A_845 : i32 to vector<16xi32>
    %mul3A_847 = arith.muli %parallel_loop3A_781#13, %mul3A_846 : vector<16xi32>
    %add3A_848 = arith.constant 80 : i32
    %add3A_849 = vector.broadcast %add3A_848 : i32 to vector<16xi32>
    %add3A_850 = arith.addi %add3A_849, %iota3A : vector<16xi32>
    %add3A_851 = arith.addi %mul3A_847, %add3A_850 : vector<16xi32>
    %gt3A_852 = arith.cmpf ogt, %parallel_loop3A_781#5, %select_n3A_843 : vector<16xf32>
    %eq3A_853 = arith.cmpf oeq, %parallel_loop3A_781#5, %select_n3A_843 : vector<16xf32>
    %lt3A_854 = arith.cmpi slt, %add3A_851, %select_n3A_844 : vector<16xi32>
    %and3A_855 = arith.andi %eq3A_853, %lt3A_854 : vector<16xi1>
    %or3A_856 = arith.ori %gt3A_852, %and3A_855 : vector<16xi1>
    %select_n3A_857 = arith.select %or3A_856, %parallel_loop3A_781#5, %select_n3A_843 : vector<16xi1>, vector<16xf32>
    %select_n3A_858 = arith.select %or3A_856, %add3A_851, %select_n3A_844 : vector<16xi1>, vector<16xi32>
    %mul3A_859 = arith.constant 128 : i32
    %mul3A_860 = vector.broadcast %mul3A_859 : i32 to vector<16xi32>
    %mul3A_861 = arith.muli %parallel_loop3A_781#14, %mul3A_860 : vector<16xi32>
    %add3A_862 = arith.constant 96 : i32
    %add3A_863 = vector.broadcast %add3A_862 : i32 to vector<16xi32>
    %add3A_864 = arith.addi %add3A_863, %iota3A : vector<16xi32>
    %add3A_865 = arith.addi %mul3A_861, %add3A_864 : vector<16xi32>
    %gt3A_866 = arith.cmpf ogt, %parallel_loop3A_781#6, %select_n3A_857 : vector<16xf32>
    %eq3A_867 = arith.cmpf oeq, %parallel_loop3A_781#6, %select_n3A_857 : vector<16xf32>
    %lt3A_868 = arith.cmpi slt, %add3A_865, %select_n3A_858 : vector<16xi32>
    %and3A_869 = arith.andi %eq3A_867, %lt3A_868 : vector<16xi1>
    %or3A_870 = arith.ori %gt3A_866, %and3A_869 : vector<16xi1>
    %select_n3A_871 = arith.select %or3A_870, %parallel_loop3A_781#6, %select_n3A_857 : vector<16xi1>, vector<16xf32>
    %select_n3A_872 = arith.select %or3A_870, %add3A_865, %select_n3A_858 : vector<16xi1>, vector<16xi32>
    %mul3A_873 = arith.constant 128 : i32
    %mul3A_874 = vector.broadcast %mul3A_873 : i32 to vector<16xi32>
    %mul3A_875 = arith.muli %parallel_loop3A_781#15, %mul3A_874 : vector<16xi32>
    %add3A_876 = arith.constant 112 : i32
    %add3A_877 = vector.broadcast %add3A_876 : i32 to vector<16xi32>
    %add3A_878 = arith.addi %add3A_877, %iota3A : vector<16xi32>
    %add3A_879 = arith.addi %mul3A_875, %add3A_878 : vector<16xi32>
    %gt3A_880 = arith.cmpf ogt, %parallel_loop3A_781#7, %select_n3A_871 : vector<16xf32>
    %eq3A_881 = arith.cmpf oeq, %parallel_loop3A_781#7, %select_n3A_871 : vector<16xf32>
    %lt3A_882 = arith.cmpi slt, %add3A_879, %select_n3A_872 : vector<16xi32>
    %and3A_883 = arith.andi %eq3A_881, %lt3A_882 : vector<16xi1>
    %or3A_884 = arith.ori %gt3A_880, %and3A_883 : vector<16xi1>
    %select_n3A_885 = arith.select %or3A_884, %parallel_loop3A_781#7, %select_n3A_871 : vector<16xi1>, vector<16xf32>
    %select_n3A_886 = arith.select %or3A_884, %add3A_879, %select_n3A_872 : vector<16xi1>, vector<16xi32>
    %xor3A_887 = arith.constant 8 : i32
    %xor3A_888 = vector.broadcast %xor3A_887 : i32 to vector<16xi32>
    %xor3A_889 = arith.xori %iota3A, %xor3A_888 : vector<16xi32>
    %broadcast_in_dim3A_890 = vector.shape_cast %xor3A_889 : vector<16xi32> to vector<16x1xi32>
    %gather3A_891 = vector.shape_cast %broadcast_in_dim3A_890 : vector<16x1xi32> to vector<16xi32>
    %gather3A_892 = tpu.dynamic_gather %select_n3A_885[%gather3A_891] in [0] : vector<16xf32>, vector<16xi32> -> vector<16xf32>
    %broadcast_in_dim3A_893 = vector.shape_cast %xor3A_889 : vector<16xi32> to vector<16x1xi32>
    %gather3A_894 = vector.shape_cast %broadcast_in_dim3A_893 : vector<16x1xi32> to vector<16xi32>
    %gather3A_895 = tpu.dynamic_gather %select_n3A_886[%gather3A_894] in [0] : vector<16xi32>, vector<16xi32> -> vector<16xi32>
    %gt3A_896 = arith.cmpf ogt, %gather3A_892, %select_n3A_885 : vector<16xf32>
    %eq3A_897 = arith.cmpf oeq, %gather3A_892, %select_n3A_885 : vector<16xf32>
    %lt3A_898 = arith.cmpi slt, %gather3A_895, %select_n3A_886 : vector<16xi32>
    %and3A_899 = arith.andi %eq3A_897, %lt3A_898 : vector<16xi1>
    %or3A_900 = arith.ori %gt3A_896, %and3A_899 : vector<16xi1>
    %select_n3A_901 = arith.select %or3A_900, %gather3A_892, %select_n3A_885 : vector<16xi1>, vector<16xf32>
    %select_n3A_902 = arith.select %or3A_900, %gather3A_895, %select_n3A_886 : vector<16xi1>, vector<16xi32>
    %xor3A_903 = arith.constant 4 : i32
    %xor3A_904 = vector.broadcast %xor3A_903 : i32 to vector<16xi32>
    %xor3A_905 = arith.xori %iota3A, %xor3A_904 : vector<16xi32>
    %broadcast_in_dim3A_906 = vector.shape_cast %xor3A_905 : vector<16xi32> to vector<16x1xi32>
    %gather3A_907 = vector.shape_cast %broadcast_in_dim3A_906 : vector<16x1xi32> to vector<16xi32>
    %gather3A_908 = tpu.dynamic_gather %select_n3A_901[%gather3A_907] in [0] : vector<16xf32>, vector<16xi32> -> vector<16xf32>
    %broadcast_in_dim3A_909 = vector.shape_cast %xor3A_905 : vector<16xi32> to vector<16x1xi32>
    %gather3A_910 = vector.shape_cast %broadcast_in_dim3A_909 : vector<16x1xi32> to vector<16xi32>
    %gather3A_911 = tpu.dynamic_gather %select_n3A_902[%gather3A_910] in [0] : vector<16xi32>, vector<16xi32> -> vector<16xi32>
    %gt3A_912 = arith.cmpf ogt, %gather3A_908, %select_n3A_901 : vector<16xf32>
    %eq3A_913 = arith.cmpf oeq, %gather3A_908, %select_n3A_901 : vector<16xf32>
    %lt3A_914 = arith.cmpi slt, %gather3A_911, %select_n3A_902 : vector<16xi32>
    %and3A_915 = arith.andi %eq3A_913, %lt3A_914 : vector<16xi1>
    %or3A_916 = arith.ori %gt3A_912, %and3A_915 : vector<16xi1>
    %select_n3A_917 = arith.select %or3A_916, %gather3A_908, %select_n3A_901 : vector<16xi1>, vector<16xf32>
    %select_n3A_918 = arith.select %or3A_916, %gather3A_911, %select_n3A_902 : vector<16xi1>, vector<16xi32>
    %xor3A_919 = arith.constant 2 : i32
    %xor3A_920 = vector.broadcast %xor3A_919 : i32 to vector<16xi32>
    %xor3A_921 = arith.xori %iota3A, %xor3A_920 : vector<16xi32>
    %broadcast_in_dim3A_922 = vector.shape_cast %xor3A_921 : vector<16xi32> to vector<16x1xi32>
    %gather3A_923 = vector.shape_cast %broadcast_in_dim3A_922 : vector<16x1xi32> to vector<16xi32>
    %gather3A_924 = tpu.dynamic_gather %select_n3A_917[%gather3A_923] in [0] : vector<16xf32>, vector<16xi32> -> vector<16xf32>
    %broadcast_in_dim3A_925 = vector.shape_cast %xor3A_921 : vector<16xi32> to vector<16x1xi32>
    %gather3A_926 = vector.shape_cast %broadcast_in_dim3A_925 : vector<16x1xi32> to vector<16xi32>
    %gather3A_927 = tpu.dynamic_gather %select_n3A_918[%gather3A_926] in [0] : vector<16xi32>, vector<16xi32> -> vector<16xi32>
    %gt3A_928 = arith.cmpf ogt, %gather3A_924, %select_n3A_917 : vector<16xf32>
    %eq3A_929 = arith.cmpf oeq, %gather3A_924, %select_n3A_917 : vector<16xf32>
    %lt3A_930 = arith.cmpi slt, %gather3A_927, %select_n3A_918 : vector<16xi32>
    %and3A_931 = arith.andi %eq3A_929, %lt3A_930 : vector<16xi1>
    %or3A_932 = arith.ori %gt3A_928, %and3A_931 : vector<16xi1>
    %select_n3A_933 = arith.select %or3A_932, %gather3A_924, %select_n3A_917 : vector<16xi1>, vector<16xf32>
    %select_n3A_934 = arith.select %or3A_932, %gather3A_927, %select_n3A_918 : vector<16xi1>, vector<16xi32>
    %xor3A_935 = arith.constant 1 : i32
    %xor3A_936 = vector.broadcast %xor3A_935 : i32 to vector<16xi32>
    %xor3A_937 = arith.xori %iota3A, %xor3A_936 : vector<16xi32>
    %broadcast_in_dim3A_938 = vector.shape_cast %xor3A_937 : vector<16xi32> to vector<16x1xi32>
    %gather3A_939 = vector.shape_cast %broadcast_in_dim3A_938 : vector<16x1xi32> to vector<16xi32>
    %gather3A_940 = tpu.dynamic_gather %select_n3A_933[%gather3A_939] in [0] : vector<16xf32>, vector<16xi32> -> vector<16xf32>
    %broadcast_in_dim3A_941 = vector.shape_cast %xor3A_937 : vector<16xi32> to vector<16x1xi32>
    %gather3A_942 = vector.shape_cast %broadcast_in_dim3A_941 : vector<16x1xi32> to vector<16xi32>
    %gather3A_943 = tpu.dynamic_gather %select_n3A_934[%gather3A_942] in [0] : vector<16xi32>, vector<16xi32> -> vector<16xi32>
    %gt3A_944 = arith.cmpf ogt, %gather3A_940, %select_n3A_933 : vector<16xf32>
    %eq3A_945 = arith.cmpf oeq, %gather3A_940, %select_n3A_933 : vector<16xf32>
    %lt3A_946 = arith.cmpi slt, %gather3A_943, %select_n3A_934 : vector<16xi32>
    %and3A_947 = arith.andi %eq3A_945, %lt3A_946 : vector<16xi1>
    %or3A_948 = arith.ori %gt3A_944, %and3A_947 : vector<16xi1>
    %select_n3A_949 = arith.select %or3A_948, %gather3A_940, %select_n3A_933 : vector<16xi1>, vector<16xf32>
    %select_n3A_950 = arith.select %or3A_948, %gather3A_943, %select_n3A_934 : vector<16xi1>, vector<16xi32>
    %swap3A_951 = arith.constant 3 : i32
    %swap3A_952 = arith.index_cast %swap3A_951 : i32 to index
    %swap3A_953 = arith.constant 0 : index
    %swap3A_954 = tpu.vector_load %arg8[%swap3A_952, %swap3A_953] {strides = array<i32>} : memref<4x16xi32, #tpu.memory_space<vmem>>, vector<1x16xi32>,
    %swap3A_955 = vector.shape_cast %swap3A_954 : vector<1x16xi32> to vector<16xi32>
    %swap3A_956 = vector.shape_cast %select_n3A_950 : vector<16xi32> to vector<1x16xi32>
    tpu.vector_store %arg8[%swap3A_952, %swap3A_953], %swap3A_956 {strides = array<i32>} : memref<4x16xi32, #tpu.memory_space<vmem>>, vector<1x16xi32>,
    "tpu.region"() ({
      %run_scoped3A = tpu.sem_alloc : memref<!tpu.dma_semaphore, #tpu.memory_space<semaphore_mem>>
      %dma_start3A_957 = arith.constant 0 : i32
      %dma_start3A_958 = tpu.memref_slice %arg3[%mul3A_2, %dma_start3A_957] : memref<128x16xi32, #tpu.memory_space<hbm>> -> memref<4x16xi32, #tpu.memory_space<hbm>>
      %dma_start3A_959 = arith.constant 0 : i32
      %dma_start3A_960 = tpu.memref_slice %arg3[%mul3A_2, %dma_start3A_959] : memref<128x16xi32, #tpu.memory_space<hbm>> -> memref<4x16xi32, #tpu.memory_space<hbm>>
      tpu.enqueue_dma source(%arg8 : memref<4x16xi32, #tpu.memory_space<vmem>>) target(%dma_start3A_960 : memref<4x16xi32, #tpu.memory_space<hbm>>) target_semaphore(%run_scoped3A : memref<!tpu.dma_semaphore, #tpu.memory_space<semaphore_mem>>)
      %dma_wait3A_961 = arith.constant 0 : i32
      %dma_wait3A_962 = tpu.memref_slice %arg3[%mul3A_2, %dma_wait3A_961] : memref<128x16xi32, #tpu.memory_space<hbm>> -> memref<4x16xi32, #tpu.memory_space<hbm>>
      %dma_wait3A_963 = arith.constant 0 : i32
      %dma_wait3A_964 = tpu.memref_slice %arg3[%mul3A_2, %dma_wait3A_963] : memref<128x16xi32, #tpu.memory_space<hbm>> -> memref<4x16xi32, #tpu.memory_space<hbm>>
      tpu.wait_dma2 semaphore(%run_scoped3A : memref<!tpu.dma_semaphore, #tpu.memory_space<semaphore_mem>>) src(%arg8 : memref<4x16xi32, #tpu.memory_space<vmem>>) dst(%dma_wait3A_964 : memref<4x16xi32, #tpu.memory_space<hbm>>)
      tpu.yield
    }) : () -> ()
    return
  }
}

</mosaic_0001>

<sc_bundles>
// kernel: kernel.3.cloned.1.call-start
scs
__scs_entry_jumppad:
0x0: {  	(pc) =	sbr.rel $0x88, $3  }
0x1: {  	(tag) =	ssettag $0x0;
	lr =	simm.s32 $0x1  }
0x2: {  	[smem:$0x3FA0] =	sst lr;
	_ =	strace $0xD0000000  }
0x3: {  	_ = 	snop  }
0x4: {  	_ = 	snop  }
0x5: {  	_ = 	snop  }
0x6: {  	_ = 	snop  }
0x7: {  	_ = 	snop  }
__scs_overlays_trampoline_lowered:
0x8: {  	[smem:$0x3FAF] =	sst s0  }
0x9: {  	[smem:$0x3FB0] =	sst s1  }
0xa: {  	[smem:$0x3FB1] =	sst s2  }
0xb: {  	[smem:$0x3FB2] =	sst s3  }
0xc: {  	[smem:$0x3FB3] =	sst s4  }
0xd: {  	[smem:$0x3FB4] =	sst s5  }
0xe: {  	[smem:$0x3FB5] =	sst s6  }
0xf: {  	[smem:$0x3FB6] =	sst s7  }
0x10: {  	[smem:$0x3FB7] =	sst s8  }
0x11: {  	[smem:$0x3FB8] =	sst s9;
	s0 =	simm.s32 @!p0 $0x0  }
0x12: {  	s1 =	sld [smem:$0x3F9E];
	s0 =	simm.s32 @p0 $0x1  }
0x13: {  	[smem:$0x3FB9] =	sst s0;
	s0 =	simm.s32 @!p1 $0x0  }
0x14: {  	s2 =	sld [smem:$0x3F9D];
	s0 =	simm.s32 @p1 $0x1  }
0x15: {  	[smem:$0x3FBA] =	sst s0;
	s0 =	simm.s32 @!p2 $0x0  }
0x16: {  	s3 =	sld [smem:$0x3FDB];
	s0 =	simm.s32 @p2 $0x1  }
0x17: {  	s4 =	simm.s32 $0x1BF5;
	[smem:$0x3FBC] =	sst s0  }
0x18: {  	s0 =	sld [smem:$0x3F9F];
	_ =	swait.ge [sflag:s4], $0x0  }
0x19: {  	s7 =	sld [smem:$0x3FA0]  }
0x1a: {  	s8 =	sadd.s32 $0xFFFFE003, lr  }
0x1b: {  	s9 =	sadd.s32 $0xFFFFFEF7, lr;
	s5 =	simm.s32 $0xFFFFFFFF;
	p2 =	slt.u32 s8, $0xFFFFF086  }
0x1c: {  	p1 =	slt.u32 s9, $0xF7A;
	s5 =	simm.s32 @!p2 $0x0  }
0x1d: {  	s5 =	simm.s32 @p1 $0x1;
	p0 =	seq.s32 s7, s2  }
0x1e: {  	s7 =	smul.u32 @!p0 $0xF7A, s2;
	p2 =	seq.s32 @!p0 s5, $0x0  }
0x1f: {  	s9 =	smul.u32 $0xF7A, s1;
	s8 =	simm.s32 @!p0 $0x1BF5;
	p2 =	por !p2, p0  }
0x20: {  	[sflag:s8] =	ssyncset.s32 @!p0 $0xFFFFF086;
	s6 =	sadd.s32 @!p0 s3, s7;
	s7 =	simm.s32 @!p0 $0x108  }
0x21: {  	s3 =	sadd.s32 s3, s9;
	s6 =	sadd.s32 @!p0 $0x88, s6;
	s7 =	simm.s32 @p2 $0x1082  }
0x22: {  	[simem:s7], [sflag:s8] =	dma.local @!p0 [hbm:s6], $0xF7A  }
0x23: {  	s9 =	sor.u32 $0xD0000000, s2;
	s6 =	simm.s32 $0x108;
	_ =	swait.ge @!p0 [sflag:s8], $0x0  }
0x24: {  	s3 =	sadd.s32 $0x88, s3;
	s6 =	simm.s32 @!p1 $0x1082;
	[sflag:s4] =	ssyncset.s32 $0xFFFFF086  }
0x25: {  	[simem:s6], [sflag:s4] =	dma.local [hbm:s3], $0xF7A  }
0x26: {  	[smem:$0x3FA0] =	sst s1;
	(tag) =	ssettag s2;
	_ =	strace s9  }
0x27: {  	s1 =	sld [smem:$0x3FB0]  }
0x28: {  	s2 =	sld [smem:$0x3FB1]  }
0x29: {  	s4 =	sld [smem:$0x3FB3]  }
0x2a: {  	p0 =	seq.s32 s5, $0x0;
	s5 =	sld [smem:$0x3FB4]  }
0x2b: {  	s6 =	sld [smem:$0x3FB5]  }
0x2c: {  	s7 =	sld [smem:$0x3FB6]  }
0x2d: {  	s3 =	simm.s32 $0x108;
	s8 =	sld [smem:$0x3FB7]  }
0x2e: {  	s3 =	simm.s32 @!p0 $0x1082;
	s9 =	sld [smem:$0x3FB8]  }
0x2f: {  	lr =	sadd.s32 s0, s3;
	s0 =	sld [smem:$0x3FAF]  }
0x30: {  	s3 =	sld [smem:$0x3FB2]  }
0x31: {  	[smem:$0x3FBB] =	sst s10  }
0x32: {  	s10 =	sld [smem:$0x3FB9];
	_ =	sdelay $0x3  }
0x33: {  	p0 =	seq.s32 s10, $0x1;
	s10 =	sld [smem:$0x3FBB];
	_ =	sdelay $0x3  }
0x34: {  	[smem:$0x3FBB] =	sst s10  }
0x35: {  	s10 =	sld [smem:$0x3FBA];
	_ =	sdelay $0x3  }
0x36: {  	p1 =	seq.s32 s10, $0x1;
	s10 =	sld [smem:$0x3FBB];
	_ =	sdelay $0x3  }
0x37: {  	[smem:$0x3FBB] =	sst s10  }
0x38: {  	s10 =	sld [smem:$0x3FBC]  }
0x39: {  	_ = 	snop;
	(pc) =	sbr.ind lr, $3  }
0x3a: {  	_ = 	snop  }
0x3b: {  	_ = 	snop  }
0x3c: {  	p2 =	seq.s32 s10, $0x1;
	s10 =	sld [smem:$0x3FBB]  }
0x3d: {  	_ =	shalt  }
0x3e: {  	_ =	shalt  }
0x3f: {  	_ =	shalt  }
0x40: {  	_ =	shalt  }
0x41: {  	_ =	shalt  }
0x42: {  	_ =	shalt  }
0x43: {  	_ =	shalt  }
0x44: {  	_ =	shalt  }
0x45: {  	_ =	shalt  }
0x46: {  	_ =	shalt  }
0x47: {  	_ =	shalt  }
0x48: {  	_ =	shalt  }
0x49: {  	_ =	shalt  }
0x4a: {  	_ =	shalt  }
0x4b: {  	_ =	shalt  }
0x4c: {  	_ =	shalt  }
0x4d: {  	_ =	shalt  }
0x4e: {  	_ =	shalt  }
0x4f: {  	_ =	shalt  }
0x50: {  	_ =	shalt  }
0x51: {  	_ =	shalt  }
0x52: {  	_ =	shalt  }
0x53: {  	_ =	shalt  }
0x54: {  	_ =	shalt  }
0x55: {  	_ =	shalt  }
0x56: {  	_ =	shalt  }
0x57: {  	_ =	shalt  }
0x58: {  	_ =	shalt  }
0x59: {  	_ =	shalt  }
0x5a: {  	_ =	shalt  }
0x5b: {  	_ =	shalt  }
0x5c: {  	_ =	shalt  }
0x5d: {  	_ =	shalt  }
0x5e: {  	_ =	shalt  }
0x5f: {  	_ =	shalt  }
0x60: {  	_ =	shalt  }
0x61: {  	_ =	shalt  }
0x62: {  	_ =	shalt  }
0x63: {  	_ =	shalt  }
0x64: {  	_ =	shalt  }
0x65: {  	_ =	shalt  }
0x66: {  	_ =	shalt  }
0x67: {  	_ =	shalt  }
0x68: {  	_ =	shalt  }
0x69: {  	_ =	shalt  }
0x6a: {  	_ =	shalt  }
0x6b: {  	_ =	shalt  }
0x6c: {  	_ =	shalt  }
0x6d: {  	_ =	shalt  }
0x6e: {  	_ =	shalt  }
0x6f: {  	_ =	shalt  }
0x70: {  	_ =	shalt  }
0x71: {  	_ =	shalt  }
0x72: {  	_ =	shalt  }
0x73: {  	_ =	shalt  }
0x74: {  	_ =	shalt  }
0x75: {  	_ =	shalt  }
0x76: {  	_ =	shalt  }
0x77: {  	_ =	shalt  }
0x78: {  	_ =	shalt  }
0x79: {  	_ =	shalt  }
0x7a: {  	_ =	shalt  }
0x7b: {  	_ =	shalt  }
0x7c: {  	_ =	shalt  }
0x7d: {  	_ =	shalt  }
0x7e: {  	_ =	shalt  }
0x7f: {  	_ =	shalt  }
0x80: {  	_ =	shalt  }
0x81: {  	_ =	shalt  }
0x82: {  	_ =	shalt  }
0x83: {  	_ =	shalt  }
0x84: {  	_ =	shalt  }
0x85: {  	_ =	shalt  }
0x86: {  	_ =	shalt  }
0x87: {  	_ =	shalt  }
.Lfunc_end0:
.L_simem_size_0:
called_computation_lowered:
.L_overlay_start_0:
0x88: {  	s2 =	sld [smem:$0x3FD9]  }
0x89: {  	s3 =	sld [smem:$0x3FFE];
	_ =	sdelay $0x1  }
0x8a: {  	s1 =	srdreg.scid  }
0x8b: {  	s0 =	sand.u32 $0x1, s1  }
0x8c: {  	s17 =	sshll.u32 s0, $0xA;
	s2 =	sadd.s32 s3, s2  }
0x8d: {  	s2 =	sadd.s32 s2, s17  }
0x8e: {  	[smem:$0x3FC7] =	sst s2  }
0x8f: {  	_ = 	snop  }
0x90: {  	s2 =	sld [smem:$0x3FC9];
	(tm) =	ssettm $0x1  }
0x91: {  	s18 =	sld [smem:$0x3FFB];
	_ =	sdelay $0x3  }
0x92: {  	_ =	strace s18  }
0x93: {  	s3 =	sld [smem:$0x3FFC];
	_ =	sdelay $0x3  }
0x94: {  	_ =	strace s3  }
0x95: {  	s3 =	sld [smem:$0x3FFD];
	_ =	sdelay $0x3  }
0x96: {  	_ =	strace s3  }
0x97: {  	_ =	strace $0x8FFFFFFF  }
0x98: {  	s19 =	sld [smem:$0x3FDB];
	_ =	sdelay $0x1  }
0x99: {  	s4 =	simm.s32 $_scs_section_size  }
0x9a: {  	s5 =	simm.s32 $_size__tile_overlayer_lowered;
	s6 =	simm.s32 $_tile_overlayer_lowered  }
0x9b: {  	s22 =	simm.s32 $0x1BFF;
	s21 =	sshll.u32 s6, $0x1;
	s3 =	sadd.s32 s4, s19  }
0x9c: {  	s7 =	simm.s32 $0x0;
	s20 =	sshll.u32 s5, $0x1;
	s5 =	sadd.s32 s21, s3  }
0x9d: {  	[timem:s7], [sflag:s22] =	dma.local [hbm:s5], s20  }
0x9e: {  	_ =	swait.ge [sflag:s22], s20  }
0x9f: {  	s4 =	ssub.s32 $0x0, s20;
	[sflag:s22] =	ssyncset.done $0x0  }
0xa0: {  	[sflag:s22] =	ssyncadd.s32 s4;
	_ =	sdelay $0x1  }
0xa1: {  	s23 =	simm.s32 $0x1B8B  }
0xa2: {  	_ =	swait.ge [sflag:s23], $0x1  }
0xa3: {  	[sflag:s23] =	ssyncset.done $0x0  }
0xa4: {  	s25 =	simm.s32 $0x1B8E;
	s24 =	sld [smem:$0x3FFE];
	[sflag:s23] =	ssyncadd.s32 $0xFFFFFFFF  }
0xa5: {  	s26 =	simm.s32 $execute0_lowered;
	[smem:$0x3FD2] =	sst s25  }
0xa6: {  	s5 =	sshll.u32 s26, $0x1;
	_ =	strace $0x80000046;
	[dreg:$0x1] =	wrdreg $0xFFFFFFFF  }
0xa7: {  	s28 =	simm.s32 $_size_execute0_lowered;
	s3 =	sadd.s32 s3, s5;
	[dreg:$0x0] =	wrdreg $0x0  }
0xa8: {  	s5 =	sshll.u32 s28, $0x1;
	[dreg:$0x2] =	wrdreg s3  }
0xa9: {  	[dreg:$0x3] =	wrdreg s5  }
0xaa: {  	[dreg:$0x4] =	wrdreg $0xC0  }
0xab: {  	_ =	task [dreg:s7], $0x5FFFF  }
0xac: {  	[dreg:$0x1] =	wrdreg $0xFFFFFFFF  }
0xad: {  	[dreg:$0x0] =	wrdreg $0x60  }
0xae: {  	[dreg:$0x2] =	wrdreg s2  }
0xaf: {  	[dreg:$0x3] =	wrdreg s24  }
0xb0: {  	[dreg:$0x4] =	wrdreg $0x9  }
0xb1: {  	_ =	task.clear_ibuf [dreg:s7], $0x5FFFF;
	_ =	strace $0x90000046  }
0xb2: {  	s29 =	simm.s32 $0x9;
	_ =	strace $0x80000048  }
0xb3: {  	_ =	swait.ge [sflag:s29], $0x1  }
0xb4: {  	[sflag:s29] =	ssyncadd.s32 $0xFFFFFFFF  }
0xb5: {  	_ =	strace $0x90000048  }
0xb6: {  	_ =	sfence  }
0xb7: {  	s30 =	sld [smem:$0x0];
	_ =	sdelay $0x2  }
0xb8: {  	s31 =	sshll.u32 s1, $0xD;
	s1 =	sshrl.u32 s1, $0x2  }
0xb9: {  	s3 =	sand.u32 $0x4000, s31;
	s1 =	sadd.s32 s1, s30  }
0xba: {  	s0 =	sor.u32 s3, s0;
	s1 =	sshll.u32 s1, $0x11  }
0xbb: {  	s0 =	sor.u32 s1, s0  }
0xbc: {  	s0 =	sadd.s32 $0x8F2B, s0  }
0xbd: {  	[sflag:s0] =	ssyncadd.remote.s32 $0x1  }
0xbe: {  	_ =	sfence.sel $0xFFFF  }
0xbf: {  	[dreg:$0x0] =	wrdreg $0xFFFFFFFF;
	(pc) =	sbr.abs _section_cstart, $3  }
0xc0: {  	[dreg:$0x1] =	wrdreg $0xFFFFFFFF  }
0xc1: {  	_ =	task.clear_ibuf [dreg:s7], $0x2FFFF;
	_ =	strace $0x9FFFFFFF  }
0xc2: {  	(tm) =	ssettm $0x7FFFFFFF  }
0xc3: {  	_ =	shalt  }
tec
execute0_lowered:
.L_overlay_start_1:
0x0: {  	(tag) =	ssettag $0x1  }
0x1: {  	s3 =	rddreg [dreg:$0x0]  }
0x2: {  	s4 =	rddreg [dreg:$0x1];
	v0 =	vimm.s32 $0xFEDCBA98;
	v1 =	vimm.s32 $0x76543210  }
0x3: {  	s0 =	rddreg [dreg:$0x2];
	s1 =	simm.s32 $0x0;
	v2 =	vimm.s32 $0xBA98FEDC;
	v3 =	vimm.s32 $0x32107654;
	v4 =	vimm.s32 $0xDCFE98BA  }
0x4: {  	s5 =	srdreg.scid;
	s2 =	stileid.u32;
	v5 =	vimm.s32 $0x54761032;
	v6 =	vimm.s32 $0xEFCDAB89;
	v7 =	vimm.s32 $0x67452301;
	s9 =	simm.s32 $0x80  }
0x5: {  	s10 =	simm.s32 $0x400;
	s11 =	simm.s32 $0x8080;
	s12 =	simm.s32 $0x1;
	v0 =	vunpack.c.l.s4.s8 v0;
	v1 =	vunpack.c.l.s4.s8 v1;
	v2 =	vunpack.c.l.s4.s8 v2  }
0x6: {  	s13 =	simm.s32 $0x2;
	s14 =	simm.s32 $0x10100;
	s15 =	simm.s32 $0x3;
	v3 =	vunpack.c.l.s4.s8 v3;
	v4 =	vunpack.c.l.s4.s8 v4;
	v5 =	vunpack.c.l.s4.s8 v5  }
0x7: {  	s16 =	simm.s32 $0x0;
	[smem:$0x7FF] =	sst s1;
	s5 =	sand.u32 $0x1, s5;
	v6 =	vunpack.c.l.s4.s8 v6;
	v7 =	vunpack.c.l.s4.s8 v7;
	v0 =	vunpack.c.0.s8.s32 v0  }
0x8: {  	s7 =	sshll.u32 s2, $0xA;
	s8 =	sshll.u32 s2, $0x12;
	s6 =	sshll.u32 s5, $0x9;
	v2 =	vunpack.c.0.s8.s32 v2;
	v3 =	vunpack.c.0.s8.s32 v3;
	v4 =	vunpack.c.0.s8.s32 v4  }
0x9: {  	_ =	strace $0x80000047;
	s5 =	ssub.s32 $0x2, s5;
	s8 =	sor.u32 s6, s8;
	v5 =	vunpack.c.0.s8.s32 v5;
	v6 =	vunpack.c.0.s8.s32 v6;
	v7 =	vunpack.c.0.s8.s32 v7  }
0xa: {  	s6 =	sor.u32 s6, s7;
	s30 =	sshrl.u32 s5, $0x1;
	v1 =	vunpack.c.0.s8.s32 v1;
	s29 =	sshrl.u32 s8, $0x3;
	v2 =	vcombine.low v3, v2  }
0xb: {  	s6 =	sshrl.u32 s6, $0x3;
	s8 =	ssub.s32 s5, s30;
	s3 =	sadd.s32 s3, s29;
	v3 =	vcombine.low v5, v4;
	v4 =	vcombine.low v7, v6;
	v0 =	vand.u32 $0xF, v0  }
0xc: {  	s31 =	sadd.s32 s6, s4;
	s8 =	smax.u32 s8, $0x1;
	s4 =	sadd.s32 $0x10, s3;
	v0 =	vcombine.low v0, v1;
	v1 =	vand.u32 $0xF, v2  }
0xd: {  	s5 =	sadd.s32 $0x20, s3;
	s6 =	sadd.s32 $0x30, s3;
	s7 =	sadd.s32 $0x400, s31;
	v2 =	vand.u32 $0xF, v3;
	v3 =	vand.u32 $0xF, v4;
	v4 =	vlaneseq.u32  }
.LBB2_1:
0xe: {  	[tilespmem:s1], [sflag:$0x1] =	stream.strided.gather [hbm4b:s3+s9], $0x8000, s10, s9, $0x38;
	[tilespmem:$0x10300] =	vst v63  }
0xf: {  	_ = 	snop  }
0x10: {  	[tilespmem:s11], [sflag:$0x2] =	stream.strided.gather [hbm4b:s4+s9], $0x8000, s10, s9, $0x38;
	[tilespmem:$0x10300] =	vst v63  }
0x11: {  	_ =	swait.ge [sflag:s12], $0x8000  }
0x12: {  	[sflag:s12] =	ssyncset.done $0x0  }
0x13: {  	s17 =	simm.s32 $0x70;
	[sflag:s12] =	ssyncadd.s32 $0xFFFF8000  }
0x14: {  	v5 =	vld [tilespmem:s17+$0xFFFFFFD0]  }
0x15: {  	v7 =	vld [tilespmem:s17+$0x0]  }
0x16: {  	v8 =	vld [tilespmem:s17+$0xFFFFFF90]  }
0x17: {  	v6 =	vld [tilespmem:s17+$0xFFFFFFC0]  }
0x18: {  	v9 =	vld [tilespmem:s17+$0xFFFFFFB0]  }
0x19: {  	v10 =	vld [tilespmem:s17+$0xFFFFFFA0]  }
0x1a: {  	s18 =	simm.s32 $0xF0;
	v12 =	vld [tilespmem:s17+$0xFFFFFFE0]  }
0x1b: {  	v11 =	vimm.f32 $-Inf;
	v26 =	vld [tilespmem:s18+$0xFFFFFFD0]  }
0x1c: {  	vm0 =	vgt.f32 v5, v11;
	v14 =	vmax.f32 v11, v5;
	vm1 =	vgt.f32 v7, v11  }
0x1d: {  	v17 =	vld [tilespmem:s17+$0xFFFFFFF0];
	v19 =	vmax.f32 v11, v8;
	v5 =	vmax.f32 v11, v6;
	v16 =	vmax.f32 v11, v9  }
0x1e: {  	v25 =	vld [tilespmem:s18+$0xFFFFFF90];
	v7 =	vmax.f32 v11, v7;
	v20 =	vmax.f32 v11, v10;
	vm2 =	vgt.f32 v10, v11  }
0x1f: {  	v13 =	vmax.f32 v11, v12;
	v21 =	vsel vm0, s1, v4;
	vm0 =	vgt.f32 v6, v11;
	v6 =	vld [tilespmem:s18+$0x0]  }
0x20: {  	v23 =	vsel vm1, s1, v4;
	vm1 =	vgt.f32 v8, v11;
	vm3 =	vgt.f32 v26, v14  }
0x21: {  	v29 =	vld [tilespmem:s18+$0xFFFFFFC0];
	v10 =	vmax.f32 v14, v26;
	v28 =	vsel vm2, s1, v4;
	v22 =	vsel vm1, s1, v4  }
0x22: {  	s17 =	simm.s32 $0x1;
	v24 =	vld [tilespmem:s18+$0xFFFFFFB0];
	vm1 =	vgt.f32 v9, v11;
	v15 =	vsel vm0, s1, v4;
	vm0 =	vgt.f32 v17, v11  }
0x23: {  	v27 =	vld [tilespmem:s18+$0xFFFFFFA0];
	v9 =	vmax.f32 v11, v17;
	v14 =	vsel vm3, s17, v21;
	v21 =	vmax.f32 v19, v25  }
0x24: {  	v17 =	vld [tilespmem:s18+$0xFFFFFFE0];
	v18 =	vsel vm1, s1, v4;
	vm1 =	vgt.f32 v12, v11;
	vm3 =	vgt.f32 v6, v7  }
0x25: {  	s19 =	simm.s32 $0x2;
	s20 =	simm.s32 $0x170;
	v26 =	vmovc v16;
	v30 =	vmovc v20;
	v12 =	vld [tilespmem:s18+$0xFFFFFFF0];
	s18 =	simm.s32 $0x0;
	v11 =	vsel vm1, s1, v4;
	v8 =	vsel vm3, s17, v23;
	v23 =	vlaneseq.u32  }
.LBB2_2:
0x26: {  	p0 =	sne.s32 s19, $0xFF  }
0x27: {  	v31 =	vld [tilespmem:s20+$0xFFFFFFD0];
	vm1 =	vgt.f32 v29, v5;
	v5 =	vmax.f32 v5, v29;
	v23 =	vsel vm0, s18, v23;
	s18 =	smov.u32 s17;
	s17 =	smov.u32 s19;
	s19 =	sadd.s32 $0x1, s19  }
0x28: {  	vm0 =	vgt.f32 v25, v19;
	v7 =	vmax.f32 v7, v6;
	v19 =	vmovc v21;
	v16 =	vmax.f32 v16, v24;
	v6 =	vld [tilespmem:s20+$0x0]  }
0x29: {  	v22 =	vsel vm0, s18, v22;
	vm0 =	vgt.f32 v24, v26;
	v25 =	vld [tilespmem:s20+$0xFFFFFF90];
	v20 =	vmax.f32 v20, v27;
	v26 =	vmovc v16  }
.Ltmp0:
0x2a: {  	vm2 =	vgt.f32 v27, v30;
	v18 =	vsel vm0, s18, v18;
	v29 =	vld [tilespmem:s20+$0xFFFFFFC0];
	vm3 =	vgt.f32 v17, v13;
	v30 =	vmovc v20;
	(pc) =	sbr.rel @p0 .LBB2_2-.Ltmp0, $4  }
0x2b: {  	v15 =	vsel vm1, s18, v15;
	v13 =	vmax.f32 v13, v17;
	v24 =	vld [tilespmem:s20+$0xFFFFFFB0];
	vm0 =	vgt.f32 v12, v9  }
0x2c: {  	v9 =	vmax.f32 v9, v12;
	v27 =	vld [tilespmem:s20+$0xFFFFFFA0];
	vm1 =	vgt.f32 v31, v10;
	v10 =	vmax.f32 v10, v31  }
0x2d: {  	v11 =	vsel vm3, s18, v11;
	v17 =	vld [tilespmem:s20+$0xFFFFFFE0];
	v14 =	vsel vm1, s17, v14;
	vm1 =	vgt.f32 v6, v7  }
0x2e: {  	v28 =	vsel vm2, s18, v28;
	v12 =	vld [tilespmem:s20+$0xFFFFFFF0];
	v21 =	vmax.f32 v21, v25;
	v8 =	vsel vm1, s17, v8;
	s20 =	sadd.s32 $0x80, s20  }
0x2f: {  	vm1 =	vgt.f32 v29, v5  }
0x30: {  	vm2 =	vgt.f32 v25, v19;
	v19 =	vmax.f32 v5, v29;
	v5 =	vlaneseq.u32  }
0x31: {  	v22 =	vsel vm2, s17, v22;
	v16 =	vmax.f32 v16, v24;
	vm2 =	vgt.f32 v27, v30  }
0x32: {  	v15 =	vsel vm1, s17, v15;
	v20 =	vmax.f32 v20, v27;
	v25 =	vsel vm2, s17, v28  }
0x33: {  	v22 =	vshll.u32 v22, $0x7;
	v27 =	vor.u32 $0x10, v5;
	v25 =	vshll.u32 v25, $0x7  }
0x34: {  	vm2 =	vgt.f32 v24, v26;
	v22 =	vor.u32 v5, v22;
	v25 =	vor.u32 v27, v25  }
0x35: {  	v18 =	vsel vm2, s17, v18;
	vm2 =	veq.f32 v20, v21;
	vm3 =	vlt.s32 v25, v22  }
0x36: {  	v15 =	vshll.u32 v15, $0x7;
	vm2 =	vmand vm2, vm3;
	vm3 =	vgt.f32 v20, v21  }
0x37: {  	v24 =	vor.u32 $0x20, v5;
	v18 =	vshll.u32 v18, $0x7;
	vm2 =	vmor vm3, vm2  }
0x38: {  	v18 =	vor.u32 v24, v18;
	v20 =	vsel vm2, v20, v21;
	v21 =	vsel vm2, v25, v22  }
0x39: {  	v22 =	vsel vm0, s18, v23;
	vm0 =	veq.f32 v16, v20;
	vm2 =	vlt.s32 v18, v21  }
0x3a: {  	v23 =	vor.u32 $0x30, v5;
	vm1 =	vgt.f32 v16, v20;
	vm0 =	vmand vm0, vm2  }
0x3b: {  	v14 =	vshll.u32 v14, $0x7;
	v15 =	vor.u32 v23, v15;
	vm0 =	vmor vm1, vm0  }
0x3c: {  	v16 =	vsel vm0, v16, v20;
	v18 =	vsel vm0, v18, v21;
	vm0 =	vgt.f32 v17, v13  }
0x3d: {  	v13 =	vmax.f32 v13, v17;
	vm1 =	veq.f32 v19, v16;
	vm2 =	vlt.s32 v15, v18  }
0x3e: {  	v17 =	vor.u32 $0x40, v5;
	vm3 =	vgt.f32 v19, v16;
	vm1 =	vmand vm1, vm2  }
0x3f: {  	v14 =	vor.u32 v17, v14;
	vm1 =	vmor vm3, vm1  }
0x40: {  	v11 =	vsel vm0, s17, v11;
	v16 =	vsel vm1, v19, v16;
	v15 =	vsel vm1, v15, v18  }
0x41: {  	v17 =	vor.u32 $0x50, v5;
	vm2 =	veq.f32 v10, v16;
	vm3 =	vlt.s32 v14, v15  }
0x42: {  	v11 =	vshll.u32 v11, $0x7;
	vm0 =	vgt.f32 v10, v16;
	vm2 =	vmand vm2, vm3  }
0x43: {  	v11 =	vor.u32 v17, v11;
	vm0 =	vmor vm0, vm2  }
0x44: {  	vm1 =	vgt.f32 v12, v9;
	v10 =	vsel vm0, v10, v16;
	v14 =	vsel vm0, v14, v15  }
0x45: {  	v9 =	vmax.f32 v9, v12;
	vm0 =	veq.f32 v13, v10;
	vm2 =	vlt.s32 v11, v14  }
0x46: {  	v12 =	vsel vm1, s17, v22;
	vm1 =	vgt.f32 v13, v10;
	vm0 =	vmand vm0, vm2  }
0x47: {  	v12 =	vshll.u32 v12, $0x7;
	v15 =	vor.u32 $0x60, v5;
	vm0 =	vmor vm1, vm0  }
0x48: {  	v12 =	vor.u32 v15, v12;
	v10 =	vsel vm0, v13, v10;
	v11 =	vsel vm0, v11, v14  }
0x49: {  	vm0 =	veq.f32 v9, v10;
	vm1 =	vlt.s32 v12, v11  }
0x4a: {  	v6 =	vmax.f32 v7, v6;
	vm2 =	vgt.f32 v9, v10;
	vm0 =	vmand vm0, vm1  }
0x4b: {  	v7 =	vshll.u32 v8, $0x7;
	v8 =	vor.u32 $0x70, v5;
	vm0 =	vmor vm2, vm0  }
0x4c: {  	v7 =	vor.u32 v8, v7;
	v9 =	vsel vm0, v9, v10;
	v10 =	vsel vm0, v12, v11  }
0x4d: {  	vm0 =	veq.f32 v6, v9;
	vm1 =	vlt.s32 v7, v10  }
0x4e: {  	vm2 =	vgt.f32 v6, v9;
	vm0 =	vmand vm0, vm1  }
0x4f: {  	vm0 =	vmor vm2, vm0  }
0x50: {  	v6 =	vsel vm0, v6, v9;
	v7 =	vsel vm0, v7, v10  }
0x51: {  	v8 =	vperm.xlane v6, v0;
	v9 =	vperm.xlane v7, v0;
	_ =	sdelay $0x1  }
0x52: {  	vm0 =	veq.f32 v8, v6;
	vm1 =	vlt.s32 v9, v7  }
0x53: {  	vm2 =	vgt.f32 v8, v6;
	vm0 =	vmand vm0, vm1  }
0x54: {  	vm0 =	vmor vm2, vm0  }
0x55: {  	v6 =	vsel vm0, v8, v6;
	v7 =	vsel vm0, v9, v7  }
0x56: {  	v8 =	vperm.xlane v6, v1;
	v9 =	vperm.xlane v7, v1;
	_ =	sdelay $0x1  }
0x57: {  	vm0 =	veq.f32 v8, v6;
	vm1 =	vlt.s32 v9, v7  }
0x58: {  	vm2 =	vgt.f32 v8, v6;
	vm0 =	vmand vm0, vm1  }
0x59: {  	vm0 =	vmor vm2, vm0  }
0x5a: {  	v6 =	vsel vm0, v8, v6;
	v7 =	vsel vm0, v9, v7  }
0x5b: {  	v8 =	vperm.xlane v6, v2;
	v9 =	vperm.xlane v7, v2;
	_ =	sdelay $0x1  }
0x5c: {  	vm0 =	veq.f32 v8, v6;
	vm1 =	vlt.s32 v9, v7  }
0x5d: {  	vm2 =	vgt.f32 v8, v6;
	vm0 =	vmand vm0, vm1  }
0x5e: {  	vm0 =	vmor vm2, vm0  }
0x5f: {  	v6 =	vsel vm0, v8, v6;
	v7 =	vsel vm0, v9, v7  }
0x60: {  	v8 =	vperm.xlane v6, v3;
	v9 =	vperm.xlane v7, v3;
	_ =	sdelay $0x1  }
0x61: {  	vm0 =	veq.f32 v8, v6;
	vm1 =	vlt.s32 v9, v7  }
0x62: {  	vm2 =	vgt.f32 v8, v6;
	vm0 =	vmand vm0, vm1  }
0x63: {  	vm0 =	vmor vm2, vm0  }
0x64: {  	v6 =	vsel vm0, v9, v7  }
0x65: {  	s17 =	simm.s32 $0x0;
	[tilespmem:$0x10100] =	vst v6  }
0x66: {  	[tilespmem:s17], [sflag:$0x1] =	stream.strided.gather [hbm4b:s5+s9], $0x8000, s10, s9, $0x38;
	[tilespmem:$0x10300] =	vst v63  }
0x67: {  	_ =	swait.ge [sflag:s13], $0x8000  }
0x68: {  	[sflag:s13] =	ssyncset.done $0x0  }
0x69: {  	s31 =	simm.s32 $0x80F0;
	[sflag:s13] =	ssyncadd.s32 $0xFFFF8000  }
0x6a: {  	v6 =	vld [tilespmem:s31+$0xFFFFFFD0]  }
0x6b: {  	v8 =	vld [tilespmem:s31+$0x0]  }
0x6c: {  	v9 =	vld [tilespmem:s31+$0xFFFFFF90]  }
0x6d: {  	v7 =	vld [tilespmem:s31+$0xFFFFFFC0]  }
0x6e: {  	v10 =	vld [tilespmem:s31+$0xFFFFFFB0]  }
0x6f: {  	v11 =	vld [tilespmem:s31+$0xFFFFFFA0]  }
0x70: {  	s20 =	simm.s32 $0x8170;
	v12 =	vimm.f32 $-Inf;
	v18 =	vld [tilespmem:s31+$0xFFFFFFF0]  }
0x71: {  	v24 =	vld [tilespmem:s20+$0xFFFFFFD0];
	vm0 =	vgt.f32 v6, v12;
	v13 =	vmax.f32 v12, v6  }
0x72: {  	v25 =	vld [tilespmem:s20+$0xFFFFFF90];
	v6 =	vmax.f32 v12, v9;
	v20 =	vmax.f32 v12, v7;
	vm1 =	vgt.f32 v9, v12  }
0x73: {  	v14 =	vld [tilespmem:s31+$0xFFFFFFE0];
	v17 =	vmax.f32 v12, v10;
	v15 =	vsel vm0, s17, v5;
	vm0 =	vgt.f32 v8, v12  }
0x74: {  	v21 =	vmax.f32 v12, v11;
	v26 =	vsel vm0, s17, v5;
	vm0 =	vgt.f32 v7, v12;
	v7 =	vld [tilespmem:s20+$0x0]  }
0x75: {  	vm2 =	vgt.f32 v11, v12;
	v8 =	vmax.f32 v12, v8;
	v22 =	vsel vm1, s17, v5  }
0x76: {  	v28 =	vld [tilespmem:s20+$0xFFFFFFC0];
	vm1 =	vgt.f32 v10, v12;
	vm3 =	vgt.f32 v24, v13;
	v11 =	vmax.f32 v13, v24  }
0x77: {  	s18 =	simm.s32 $0x1;
	v23 =	vld [tilespmem:s20+$0xFFFFFFB0];
	v10 =	vmax.f32 v12, v18;
	v24 =	vmax.f32 v6, v25;
	v29 =	vsel vm2, s17, v5  }
0x78: {  	v27 =	vld [tilespmem:s20+$0xFFFFFFA0];
	v19 =	vsel vm1, s17, v5;
	vm1 =	vgt.f32 v14, v12;
	v15 =	vsel vm3, s18, v15  }
0x79: {  	v16 =	vsel vm0, s17, v5;
	vm0 =	vgt.f32 v18, v12;
	v18 =	vld [tilespmem:s20+$0xFFFFFFE0];
	vm3 =	vgt.f32 v7, v8  }
0x7a: {  	s19 =	simm.s32 $0x2;
	v30 =	vmovc v21;
	v14 =	vmax.f32 v12, v14;
	v13 =	vsel vm1, s17, v5;
	v12 =	vld [tilespmem:s20+$0xFFFFFFF0];
	s20 =	simm.s32 $0x81F0;
	v9 =	vsel vm3, s18, v26;
	v26 =	vmovc v17  }
.LBB2_4:
0x7b: {  	p0 =	sne.s32 s19, $0xFF  }
0x7c: {  	v31 =	vld [tilespmem:s20+$0xFFFFFFD0];
	vm1 =	vgt.f32 v28, v20;
	v20 =	vmax.f32 v20, v28;
	v5 =	vsel vm0, s17, v5;
	s17 =	smov.u32 s18;
	s18 =	smov.u32 s19;
	s19 =	sadd.s32 $0x1, s19  }
0x7d: {  	vm0 =	vgt.f32 v25, v6;
	v8 =	vmax.f32 v8, v7;
	v6 =	vmovc v24;
	v17 =	vmax.f32 v17, v23;
	v7 =	vld [tilespmem:s20+$0x0]  }
0x7e: {  	v22 =	vsel vm0, s17, v22;
	vm0 =	vgt.f32 v23, v26;
	v25 =	vld [tilespmem:s20+$0xFFFFFF90];
	v21 =	vmax.f32 v21, v27;
	v26 =	vmovc v17  }
.Ltmp1:
0x7f: {  	vm2 =	vgt.f32 v27, v30;
	v19 =	vsel vm0, s17, v19;
	v28 =	vld [tilespmem:s20+$0xFFFFFFC0];
	vm3 =	vgt.f32 v18, v14;
	v30 =	vmovc v21;
	(pc) =	sbr.rel @p0 .LBB2_4-.Ltmp1, $4  }
0x80: {  	v16 =	vsel vm1, s17, v16;
	v14 =	vmax.f32 v14, v18;
	v23 =	vld [tilespmem:s20+$0xFFFFFFB0];
	vm0 =	vgt.f32 v12, v10  }
0x81: {  	v10 =	vmax.f32 v10, v12;
	v27 =	vld [tilespmem:s20+$0xFFFFFFA0];
	vm1 =	vgt.f32 v31, v11;
	v11 =	vmax.f32 v11, v31  }
0x82: {  	v13 =	vsel vm3, s17, v13;
	v18 =	vld [tilespmem:s20+$0xFFFFFFE0];
	v15 =	vsel vm1, s18, v15;
	vm1 =	vgt.f32 v7, v8  }
0x83: {  	v29 =	vsel vm2, s17, v29;
	v12 =	vld [tilespmem:s20+$0xFFFFFFF0];
	v24 =	vmax.f32 v24, v25;
	v9 =	vsel vm1, s18, v9;
	s20 =	sadd.s32 $0x80, s20  }
0x84: {  	vm1 =	vgt.f32 v28, v20  }
0x85: {  	vm2 =	vgt.f32 v25, v6;
	v20 =	vmax.f32 v20, v28;
	v6 =	vlaneseq.u32  }
0x86: {  	v5 =	vsel vm0, s17, v5;
	v22 =	vsel vm2, s18, v22;
	vm2 =	vgt.f32 v27, v30  }
0x87: {  	v17 =	vmax.f32 v17, v23;
	v21 =	vmax.f32 v21, v27;
	v25 =	vsel vm2, s18, v29  }
0x88: {  	v22 =	vshll.u32 v22, $0x7;
	v27 =	vor.u32 $0x10, v6;
	v25 =	vshll.u32 v25, $0x7  }
0x89: {  	vm2 =	vgt.f32 v23, v26;
	v22 =	vor.u32 v6, v22;
	v25 =	vor.u32 v27, v25  }
0x8a: {  	v19 =	vsel vm2, s18, v19;
	vm2 =	veq.f32 v21, v24;
	vm3 =	vlt.s32 v25, v22  }
0x8b: {  	v16 =	vsel vm1, s18, v16;
	vm2 =	vmand vm2, vm3;
	vm3 =	vgt.f32 v21, v24  }
0x8c: {  	v23 =	vor.u32 $0x20, v6;
	v19 =	vshll.u32 v19, $0x7;
	vm2 =	vmor vm3, vm2  }
0x8d: {  	v19 =	vor.u32 v23, v19;
	v21 =	vsel vm2, v21, v24;
	v22 =	vsel vm2, v25, v22  }
0x8e: {  	v16 =	vshll.u32 v16, $0x7;
	vm0 =	veq.f32 v17, v21;
	vm2 =	vlt.s32 v19, v22  }
0x8f: {  	v23 =	vor.u32 $0x30, v6;
	vm1 =	vgt.f32 v17, v21;
	vm0 =	vmand vm0, vm2  }
0x90: {  	v15 =	vshll.u32 v15, $0x7;
	v16 =	vor.u32 v23, v16;
	vm0 =	vmor vm1, vm0  }
0x91: {  	v17 =	vsel vm0, v17, v21;
	v19 =	vsel vm0, v19, v22;
	vm0 =	vgt.f32 v18, v14  }
0x92: {  	v14 =	vmax.f32 v14, v18;
	vm1 =	veq.f32 v20, v17;
	vm2 =	vlt.s32 v16, v19  }
0x93: {  	v18 =	vor.u32 $0x40, v6;
	vm3 =	vgt.f32 v20, v17;
	vm1 =	vmand vm1, vm2  }
0x94: {  	v15 =	vor.u32 v18, v15;
	vm1 =	vmor vm3, vm1  }
0x95: {  	v13 =	vsel vm0, s18, v13;
	v17 =	vsel vm1, v20, v17;
	v16 =	vsel vm1, v16, v19  }
0x96: {  	v18 =	vor.u32 $0x50, v6;
	vm2 =	veq.f32 v11, v17;
	vm3 =	vlt.s32 v15, v16  }
0x97: {  	v13 =	vshll.u32 v13, $0x7;
	vm0 =	vgt.f32 v11, v17;
	vm2 =	vmand vm2, vm3  }
0x98: {  	v13 =	vor.u32 v18, v13;
	vm0 =	vmor vm0, vm2  }
0x99: {  	vm1 =	vgt.f32 v12, v10;
	v11 =	vsel vm0, v11, v17;
	v15 =	vsel vm0, v15, v16  }
0x9a: {  	v10 =	vmax.f32 v10, v12;
	vm0 =	veq.f32 v14, v11;
	vm2 =	vlt.s32 v13, v15  }
0x9b: {  	v5 =	vsel vm1, s18, v5;
	vm1 =	vgt.f32 v14, v11;
	vm0 =	vmand vm0, vm2  }
0x9c: {  	v12 =	vor.u32 $0x60, v6;
	v5 =	vshll.u32 v5, $0x7;
	vm0 =	vmor vm1, vm0  }
0x9d: {  	v5 =	vor.u32 v12, v5;
	v11 =	vsel vm0, v14, v11;
	v13 =	vsel vm0, v13, v15  }
0x9e: {  	vm0 =	veq.f32 v10, v11;
	vm1 =	vlt.s32 v5, v13  }
0x9f: {  	v7 =	vmax.f32 v8, v7;
	vm2 =	vgt.f32 v10, v11;
	vm0 =	vmand vm0, vm1  }
0xa0: {  	v8 =	vshll.u32 v9, $0x7;
	v9 =	vor.u32 $0x70, v6;
	vm0 =	vmor vm2, vm0  }
0xa1: {  	v8 =	vor.u32 v9, v8;
	v10 =	vsel vm0, v10, v11;
	v5 =	vsel vm0, v5, v13  }
0xa2: {  	vm0 =	veq.f32 v7, v10;
	vm1 =	vlt.s32 v8, v5  }
0xa3: {  	vm2 =	vgt.f32 v7, v10;
	vm0 =	vmand vm0, vm1  }
0xa4: {  	vm0 =	vmor vm2, vm0  }
0xa5: {  	v7 =	vsel vm0, v7, v10;
	v5 =	vsel vm0, v8, v5  }
0xa6: {  	v8 =	vperm.xlane v7, v0;
	v9 =	vperm.xlane v5, v0;
	_ =	sdelay $0x1  }
0xa7: {  	vm0 =	veq.f32 v8, v7;
	vm1 =	vlt.s32 v9, v5  }
0xa8: {  	vm2 =	vgt.f32 v8, v7;
	vm0 =	vmand vm0, vm1  }
0xa9: {  	vm0 =	vmor vm2, vm0  }
0xaa: {  	v7 =	vsel vm0, v8, v7;
	v5 =	vsel vm0, v9, v5  }
0xab: {  	v8 =	vperm.xlane v7, v1;
	v9 =	vperm.xlane v5, v1;
	_ =	sdelay $0x1  }
0xac: {  	vm0 =	veq.f32 v8, v7;
	vm1 =	vlt.s32 v9, v5  }
0xad: {  	vm2 =	vgt.f32 v8, v7;
	vm0 =	vmand vm0, vm1  }
0xae: {  	vm0 =	vmor vm2, vm0  }
0xaf: {  	v7 =	vsel vm0, v8, v7;
	v5 =	vsel vm0, v9, v5  }
0xb0: {  	v8 =	vperm.xlane v7, v2;
	v9 =	vperm.xlane v5, v2;
	_ =	sdelay $0x1  }
0xb1: {  	vm0 =	veq.f32 v8, v7;
	vm1 =	vlt.s32 v9, v5  }
0xb2: {  	vm2 =	vgt.f32 v8, v7;
	vm0 =	vmand vm0, vm1  }
0xb3: {  	vm0 =	vmor vm2, vm0  }
0xb4: {  	v7 =	vsel vm0, v8, v7;
	v5 =	vsel vm0, v9, v5  }
0xb5: {  	v8 =	vperm.xlane v7, v3;
	v9 =	vperm.xlane v5, v3;
	_ =	sdelay $0x1  }
0xb6: {  	vm0 =	veq.f32 v8, v7;
	vm1 =	vlt.s32 v9, v5  }
0xb7: {  	vm2 =	vgt.f32 v8, v7;
	vm0 =	vmand vm0, vm1  }
0xb8: {  	vm0 =	vmor vm2, vm0  }
0xb9: {  	v5 =	vsel vm0, v9, v5  }
0xba: {  	[tilespmem:$0x10180] =	vst v5  }
0xbb: {  	[tilespmem:s11], [sflag:$0x2] =	stream.strided.gather [hbm4b:s6+s9], $0x8000, s10, s9, $0x38;
	[tilespmem:$0x10300] =	vst v63  }
0xbc: {  	_ =	swait.ge [sflag:s12], $0x8000  }
0xbd: {  	[sflag:s12] =	ssyncset.done $0x0  }
0xbe: {  	s31 =	simm.s32 $0x70;
	[sflag:s12] =	ssyncadd.s32 $0xFFFF8000  }
0xbf: {  	v5 =	vld [tilespmem:s31+$0xFFFFFFD0]  }
0xc0: {  	v8 =	vld [tilespmem:s31+$0x0]  }
0xc1: {  	v9 =	vld [tilespmem:s31+$0xFFFFFF90]  }
0xc2: {  	v7 =	vld [tilespmem:s31+$0xFFFFFFC0]  }
0xc3: {  	v10 =	vld [tilespmem:s31+$0xFFFFFFB0]  }
0xc4: {  	v11 =	vld [tilespmem:s31+$0xFFFFFFA0]  }
0xc5: {  	s20 =	simm.s32 $0xF0;
	v12 =	vimm.f32 $-Inf;
	v18 =	vld [tilespmem:s31+$0xFFFFFFF0]  }
0xc6: {  	v24 =	vld [tilespmem:s20+$0xFFFFFFD0];
	vm0 =	vgt.f32 v5, v12;
	v13 =	vmax.f32 v12, v5  }
0xc7: {  	s18 =	simm.s32 $0x0;
	v25 =	vld [tilespmem:s20+$0xFFFFFF90];
	v5 =	vmax.f32 v12, v9;
	v20 =	vmax.f32 v12, v7;
	vm1 =	vgt.f32 v9, v12  }
0xc8: {  	v14 =	vld [tilespmem:s31+$0xFFFFFFE0];
	v17 =	vmax.f32 v12, v10;
	v15 =	vsel vm0, s18, v6;
	vm0 =	vgt.f32 v8, v12  }
0xc9: {  	v21 =	vmax.f32 v12, v11;
	v26 =	vsel vm0, s18, v6;
	vm0 =	vgt.f32 v7, v12;
	v7 =	vld [tilespmem:s20+$0x0]  }
0xca: {  	vm2 =	vgt.f32 v11, v12;
	v8 =	vmax.f32 v12, v8;
	v22 =	vsel vm1, s18, v6  }
0xcb: {  	v28 =	vld [tilespmem:s20+$0xFFFFFFC0];
	vm1 =	vgt.f32 v10, v12;
	vm3 =	vgt.f32 v24, v13;
	v11 =	vmax.f32 v13, v24  }
0xcc: {  	s17 =	simm.s32 $0x1;
	v23 =	vld [tilespmem:s20+$0xFFFFFFB0];
	v10 =	vmax.f32 v12, v18;
	v24 =	vmax.f32 v5, v25;
	v29 =	vsel vm2, s18, v6  }
0xcd: {  	v27 =	vld [tilespmem:s20+$0xFFFFFFA0];
	v19 =	vsel vm1, s18, v6;
	vm1 =	vgt.f32 v14, v12;
	v15 =	vsel vm3, s17, v15  }
0xce: {  	v16 =	vsel vm0, s18, v6;
	vm0 =	vgt.f32 v18, v12;
	v18 =	vld [tilespmem:s20+$0xFFFFFFE0];
	vm3 =	vgt.f32 v7, v8  }
0xcf: {  	s19 =	simm.s32 $0x2;
	v30 =	vmovc v21;
	v14 =	vmax.f32 v12, v14;
	v13 =	vsel vm1, s18, v6;
	v12 =	vld [tilespmem:s20+$0xFFFFFFF0];
	s20 =	simm.s32 $0x170;
	v9 =	vsel vm3, s17, v26;
	v26 =	vmovc v17  }
.LBB2_6:
0xd0: {  	p0 =	sne.s32 s19, $0xFF  }
0xd1: {  	v31 =	vld [tilespmem:s20+$0xFFFFFFD0];
	vm1 =	vgt.f32 v28, v20;
	v20 =	vmax.f32 v20, v28;
	v6 =	vsel vm0, s18, v6;
	s18 =	smov.u32 s17;
	s17 =	smov.u32 s19;
	s19 =	sadd.s32 $0x1, s19  }
0xd2: {  	vm0 =	vgt.f32 v25, v5;
	v8 =	vmax.f32 v8, v7;
	v5 =	vmovc v24;
	v17 =	vmax.f32 v17, v23;
	v7 =	vld [tilespmem:s20+$0x0]  }
0xd3: {  	v22 =	vsel vm0, s18, v22;
	vm0 =	vgt.f32 v23, v26;
	v25 =	vld [tilespmem:s20+$0xFFFFFF90];
	v21 =	vmax.f32 v21, v27;
	v26 =	vmovc v17  }
.Ltmp2:
0xd4: {  	vm2 =	vgt.f32 v27, v30;
	v19 =	vsel vm0, s18, v19;
	v28 =	vld [tilespmem:s20+$0xFFFFFFC0];
	vm3 =	vgt.f32 v18, v14;
	v30 =	vmovc v21;
	(pc) =	sbr.rel @p0 .LBB2_6-.Ltmp2, $4  }
0xd5: {  	v16 =	vsel vm1, s18, v16;
	v14 =	vmax.f32 v14, v18;
	v23 =	vld [tilespmem:s20+$0xFFFFFFB0];
	vm0 =	vgt.f32 v12, v10  }
0xd6: {  	v10 =	vmax.f32 v10, v12;
	v27 =	vld [tilespmem:s20+$0xFFFFFFA0];
	vm1 =	vgt.f32 v31, v11;
	v11 =	vmax.f32 v11, v31  }
0xd7: {  	v13 =	vsel vm3, s18, v13;
	v18 =	vld [tilespmem:s20+$0xFFFFFFE0];
	v15 =	vsel vm1, s17, v15;
	vm1 =	vgt.f32 v7, v8  }
0xd8: {  	v29 =	vsel vm2, s18, v29;
	v12 =	vld [tilespmem:s20+$0xFFFFFFF0];
	v24 =	vmax.f32 v24, v25;
	v9 =	vsel vm1, s17, v9;
	s20 =	sadd.s32 $0x80, s20  }
0xd9: {  	vm1 =	vgt.f32 v28, v20  }
0xda: {  	vm2 =	vgt.f32 v25, v5;
	v20 =	vmax.f32 v20, v28;
	v5 =	vlaneseq.u32  }
0xdb: {  	v6 =	vsel vm0, s18, v6;
	v22 =	vsel vm2, s17, v22;
	vm2 =	vgt.f32 v27, v30  }
0xdc: {  	v17 =	vmax.f32 v17, v23;
	v21 =	vmax.f32 v21, v27;
	v25 =	vsel vm2, s17, v29  }
0xdd: {  	v22 =	vshll.u32 v22, $0x7;
	v27 =	vor.u32 $0x10, v5;
	v25 =	vshll.u32 v25, $0x7  }
0xde: {  	vm2 =	vgt.f32 v23, v26;
	v22 =	vor.u32 v5, v22;
	v25 =	vor.u32 v27, v25  }
0xdf: {  	v19 =	vsel vm2, s17, v19;
	vm2 =	veq.f32 v21, v24;
	vm3 =	vlt.s32 v25, v22  }
0xe0: {  	v16 =	vsel vm1, s17, v16;
	vm2 =	vmand vm2, vm3;
	vm3 =	vgt.f32 v21, v24  }
0xe1: {  	v23 =	vor.u32 $0x20, v5;
	v19 =	vshll.u32 v19, $0x7;
	vm2 =	vmor vm3, vm2  }
0xe2: {  	v19 =	vor.u32 v23, v19;
	v21 =	vsel vm2, v21, v24;
	v22 =	vsel vm2, v25, v22  }
0xe3: {  	v16 =	vshll.u32 v16, $0x7;
	vm0 =	veq.f32 v17, v21;
	vm2 =	vlt.s32 v19, v22  }
0xe4: {  	v23 =	vor.u32 $0x30, v5;
	vm1 =	vgt.f32 v17, v21;
	vm0 =	vmand vm0, vm2  }
0xe5: {  	v15 =	vshll.u32 v15, $0x7;
	v16 =	vor.u32 v23, v16;
	vm0 =	vmor vm1, vm0  }
0xe6: {  	v17 =	vsel vm0, v17, v21;
	v19 =	vsel vm0, v19, v22;
	vm0 =	vgt.f32 v18, v14  }
0xe7: {  	v14 =	vmax.f32 v14, v18;
	vm1 =	veq.f32 v20, v17;
	vm2 =	vlt.s32 v16, v19  }
0xe8: {  	v18 =	vor.u32 $0x40, v5;
	vm3 =	vgt.f32 v20, v17;
	vm1 =	vmand vm1, vm2  }
0xe9: {  	v15 =	vor.u32 v18, v15;
	vm1 =	vmor vm3, vm1  }
0xea: {  	v13 =	vsel vm0, s17, v13;
	v17 =	vsel vm1, v20, v17;
	v16 =	vsel vm1, v16, v19  }
0xeb: {  	v18 =	vor.u32 $0x50, v5;
	vm2 =	veq.f32 v11, v17;
	vm3 =	vlt.s32 v15, v16  }
0xec: {  	v13 =	vshll.u32 v13, $0x7;
	vm0 =	vgt.f32 v11, v17;
	vm2 =	vmand vm2, vm3  }
0xed: {  	v13 =	vor.u32 v18, v13;
	vm0 =	vmor vm0, vm2  }
0xee: {  	vm1 =	vgt.f32 v12, v10;
	v11 =	vsel vm0, v11, v17;
	v15 =	vsel vm0, v15, v16  }
0xef: {  	v10 =	vmax.f32 v10, v12;
	vm0 =	veq.f32 v14, v11;
	vm2 =	vlt.s32 v13, v15  }
0xf0: {  	v6 =	vsel vm1, s17, v6;
	vm1 =	vgt.f32 v14, v11;
	vm0 =	vmand vm0, vm2  }
0xf1: {  	v12 =	vor.u32 $0x60, v5;
	v6 =	vshll.u32 v6, $0x7;
	vm0 =	vmor vm1, vm0  }
0xf2: {  	v6 =	vor.u32 v12, v6;
	v11 =	vsel vm0, v14, v11;
	v13 =	vsel vm0, v13, v15  }
0xf3: {  	vm0 =	veq.f32 v10, v11;
	vm1 =	vlt.s32 v6, v13  }
0xf4: {  	v7 =	vmax.f32 v8, v7;
	vm2 =	vgt.f32 v10, v11;
	vm0 =	vmand vm0, vm1  }
0xf5: {  	v8 =	vshll.u32 v9, $0x7;
	v9 =	vor.u32 $0x70, v5;
	vm0 =	vmor vm2, vm0  }
0xf6: {  	v8 =	vor.u32 v9, v8;
	v10 =	vsel vm0, v10, v11;
	v6 =	vsel vm0, v6, v13  }
0xf7: {  	vm0 =	veq.f32 v7, v10;
	vm1 =	vlt.s32 v8, v6  }
0xf8: {  	vm2 =	vgt.f32 v7, v10;
	vm0 =	vmand vm0, vm1  }
0xf9: {  	vm0 =	vmor vm2, vm0  }
0xfa: {  	v7 =	vsel vm0, v7, v10;
	v6 =	vsel vm0, v8, v6  }
0xfb: {  	v8 =	vperm.xlane v7, v0;
	v9 =	vperm.xlane v6, v0;
	_ =	sdelay $0x1  }
0xfc: {  	vm0 =	veq.f32 v8, v7;
	vm1 =	vlt.s32 v9, v6  }
0xfd: {  	vm2 =	vgt.f32 v8, v7;
	vm0 =	vmand vm0, vm1  }
0xfe: {  	vm0 =	vmor vm2, vm0  }
0xff: {  	v7 =	vsel vm0, v8, v7;
	v6 =	vsel vm0, v9, v6  }
0x100: {  	v8 =	vperm.xlane v7, v1;
	v9 =	vperm.xlane v6, v1;
	_ =	sdelay $0x1  }
0x101: {  	vm0 =	veq.f32 v8, v7;
	vm1 =	vlt.s32 v9, v6  }
0x102: {  	vm2 =	vgt.f32 v8, v7;
	vm0 =	vmand vm0, vm1  }
0x103: {  	vm0 =	vmor vm2, vm0  }
0x104: {  	v7 =	vsel vm0, v8, v7;
	v6 =	vsel vm0, v9, v6  }
0x105: {  	v8 =	vperm.xlane v7, v2;
	v9 =	vperm.xlane v6, v2;
	_ =	sdelay $0x1  }
0x106: {  	vm0 =	veq.f32 v8, v7;
	vm1 =	vlt.s32 v9, v6  }
0x107: {  	vm2 =	vgt.f32 v8, v7;
	vm0 =	vmand vm0, vm1  }
0x108: {  	vm0 =	vmor vm2, vm0  }
0x109: {  	v7 =	vsel vm0, v8, v7;
	v6 =	vsel vm0, v9, v6  }
0x10a: {  	v8 =	vperm.xlane v7, v3;
	v9 =	vperm.xlane v6, v3;
	_ =	sdelay $0x1  }
0x10b: {  	vm0 =	veq.f32 v8, v7;
	vm1 =	vlt.s32 v9, v6  }
0x10c: {  	vm2 =	vgt.f32 v8, v7;
	vm0 =	vmand vm0, vm1  }
0x10d: {  	vm0 =	vmor vm2, vm0  }
0x10e: {  	v6 =	vsel vm0, v9, v6  }
0x10f: {  	[tilespmem:$0x10200] =	vst v6  }
0x110: {  	_ =	swait.ge [sflag:s13], $0x8000  }
0x111: {  	[sflag:s13] =	ssyncset.done $0x0  }
0x112: {  	s31 =	simm.s32 $0x80F0;
	[sflag:s13] =	ssyncadd.s32 $0xFFFF8000  }
0x113: {  	v6 =	vld [tilespmem:s31+$0xFFFFFFD0]  }
0x114: {  	v7 =	vld [tilespmem:s31+$0x0]  }
0x115: {  	v8 =	vld [tilespmem:s31+$0xFFFFFF90]  }
0x116: {  	v9 =	vld [tilespmem:s31+$0xFFFFFFC0]  }
0x117: {  	v10 =	vld [tilespmem:s31+$0xFFFFFFB0]  }
0x118: {  	v12 =	vld [tilespmem:s31+$0xFFFFFFA0]  }
0x119: {  	v14 =	vld [tilespmem:s31+$0xFFFFFFE0]  }
0x11a: {  	s20 =	simm.s32 $0x8170;
	v11 =	vimm.f32 $-Inf  }
0x11b: {  	v29 =	vld [tilespmem:s20+$0xFFFFFFD0];
	vm0 =	vgt.f32 v6, v11;
	v13 =	vmax.f32 v11, v6  }
0x11c: {  	v20 =	vmax.f32 v11, v8;
	v15 =	vmax.f32 v11, v9;
	vm1 =	vgt.f32 v8, v11  }
0x11d: {  	s18 =	simm.s32 $0x0;
	v18 =	vld [tilespmem:s31+$0xFFFFFFF0];
	v16 =	vmax.f32 v11, v10;
	v21 =	vmax.f32 v11, v12;
	vm2 =	vgt.f32 v12, v11  }
0x11e: {  	v6 =	vld [tilespmem:s20+$0x0];
	v12 =	vmax.f32 v11, v14;
	v24 =	vsel vm0, s18, v5;
	vm0 =	vgt.f32 v7, v11  }
0x11f: {  	v26 =	vld [tilespmem:s20+$0xFFFFFF90];
	v7 =	vmax.f32 v11, v7;
	v23 =	vsel vm1, s18, v5;
	vm1 =	vgt.f32 v10, v11  }
0x120: {  	v25 =	vld [tilespmem:s20+$0xFFFFFFC0];
	vm3 =	vgt.f32 v29, v13;
	v10 =	vmax.f32 v13, v29;
	v29 =	vsel vm2, s18, v5  }
0x121: {  	s17 =	simm.s32 $0x1;
	v22 =	vld [tilespmem:s20+$0xFFFFFFB0];
	v28 =	vsel vm0, s18, v5;
	vm0 =	vgt.f32 v9, v11;
	v19 =	vsel vm1, s18, v5  }
0x122: {  	v27 =	vld [tilespmem:s20+$0xFFFFFFA0];
	vm1 =	vgt.f32 v14, v11;
	v9 =	vmax.f32 v11, v18;
	v14 =	vsel vm3, s17, v24  }
0x123: {  	v17 =	vsel vm0, s18, v5;
	vm0 =	vgt.f32 v18, v11;
	v18 =	vld [tilespmem:s20+$0xFFFFFFE0];
	vm3 =	vgt.f32 v6, v7  }
0x124: {  	s19 =	simm.s32 $0x2;
	v30 =	vmovc v21;
	v24 =	vmax.f32 v20, v26;
	v13 =	vsel vm1, s18, v5;
	v11 =	vld [tilespmem:s20+$0xFFFFFFF0];
	s20 =	simm.s32 $0x81F0;
	v8 =	vsel vm3, s17, v28;
	v28 =	vmovc v16  }
.LBB2_8:
0x125: {  	p0 =	sne.s32 s19, $0xFF  }
0x126: {  	v31 =	vld [tilespmem:s20+$0xFFFFFFD0];
	vm1 =	vgt.f32 v25, v15;
	v15 =	vmax.f32 v15, v25;
	v5 =	vsel vm0, s18, v5;
	s18 =	smov.u32 s17;
	s17 =	smov.u32 s19;
	s19 =	sadd.s32 $0x1, s19  }
0x127: {  	vm0 =	vgt.f32 v26, v20;
	v7 =	vmax.f32 v7, v6;
	v20 =	vmovc v24;
	v16 =	vmax.f32 v16, v22;
	v6 =	vld [tilespmem:s20+$0x0]  }
0x128: {  	v23 =	vsel vm0, s18, v23;
	vm0 =	vgt.f32 v22, v28;
	v26 =	vld [tilespmem:s20+$0xFFFFFF90];
	v21 =	vmax.f32 v21, v27;
	v28 =	vmovc v16  }
.Ltmp3:
0x129: {  	vm2 =	vgt.f32 v27, v30;
	v19 =	vsel vm0, s18, v19;
	v25 =	vld [tilespmem:s20+$0xFFFFFFC0];
	vm3 =	vgt.f32 v18, v12;
	v30 =	vmovc v21;
	(pc) =	sbr.rel @p0 .LBB2_8-.Ltmp3, $4  }
0x12a: {  	v17 =	vsel vm1, s18, v17;
	v12 =	vmax.f32 v12, v18;
	v22 =	vld [tilespmem:s20+$0xFFFFFFB0];
	vm0 =	vgt.f32 v11, v9  }
0x12b: {  	v9 =	vmax.f32 v9, v11;
	v27 =	vld [tilespmem:s20+$0xFFFFFFA0];
	vm1 =	vgt.f32 v31, v10;
	v10 =	vmax.f32 v10, v31  }
0x12c: {  	v13 =	vsel vm3, s18, v13;
	v18 =	vld [tilespmem:s20+$0xFFFFFFE0];
	v14 =	vsel vm1, s17, v14;
	vm1 =	vgt.f32 v6, v7  }
0x12d: {  	v29 =	vsel vm2, s18, v29;
	v11 =	vld [tilespmem:s20+$0xFFFFFFF0];
	v24 =	vmax.f32 v24, v26;
	v8 =	vsel vm1, s17, v8;
	s20 =	sadd.s32 $0x80, s20  }
0x12e: {  	_ = 	snop  }
0x12f: {  	vm1 =	vgt.f32 v26, v20  }
0x130: {  	v50 =	vor.u32 $0x10, v4;
	vm9 =	vgt.f32 v25, v15;
	vm2 =	vgt.f32 v27, v30  }
0x131: {  	v51 =	vmax.f32 v15, v25;
	v20 =	vsel vm1, s17, v23;
	v49 =	vsel vm2, s17, v29  }
0x132: {  	v52 =	vor.u32 $0x20, v4;
	v20 =	vshll.u32 v20, $0x7;
	v23 =	vshll.u32 v49, $0x7  }
0x133: {  	v21 =	vmax.f32 v21, v27;
	v20 =	vor.u32 v4, v20;
	v23 =	vor.u32 v50, v23  }
0x134: {  	vm15 =	vgt.f32 v22, v28;
	vm6 =	veq.f32 v21, v24;
	vm3 =	vlt.s32 v23, v20  }
0x135: {  	v19 =	vsel vm15, s17, v19;
	vm8 =	vgt.f32 v21, v24;
	vm7 =	vmand vm6, vm3  }
0x136: {  	v16 =	vmax.f32 v16, v22;
	v19 =	vshll.u32 v19, $0x7;
	vm1 =	vmor vm8, vm7  }
0x137: {  	v19 =	vor.u32 v52, v19;
	v21 =	vsel vm1, v21, v24;
	v20 =	vsel vm1, v23, v20  }
0x138: {  	v5 =	vsel vm0, s18, v5;
	vm10 =	veq.f32 v16, v21;
	vm1 =	vlt.s32 v19, v20  }
0x139: {  	v17 =	vsel vm9, s17, v17;
	vm11 =	vgt.f32 v16, v21;
	vm0 =	vmand vm10, vm1  }
0x13a: {  	v53 =	vor.u32 $0x30, v4;
	v17 =	vshll.u32 v17, $0x7;
	vm0 =	vmor vm11, vm0  }
0x13b: {  	v17 =	vor.u32 v53, v17;
	v16 =	vsel vm0, v16, v21;
	v19 =	vsel vm0, v19, v20  }
0x13c: {  	v14 =	vshll.u32 v14, $0x7;
	vm13 =	veq.f32 v51, v16;
	vm14 =	vlt.s32 v17, v19  }
0x13d: {  	v55 =	vor.u32 $0x40, v4;
	vm15 =	vgt.f32 v51, v16;
	vm1 =	vmand vm13, vm14  }
0x13e: {  	v57 =	vor.u32 $0x50, v4;
	v60 =	vor.u32 $0x60, v4;
	vm1 =	vmor vm15, vm1  }
0x13f: {  	v14 =	vor.u32 v55, v14;
	v15 =	vsel vm1, v51, v16;
	v56 =	vsel vm1, v17, v19  }
0x140: {  	vm12 =	vgt.f32 v18, v12;
	vm4 =	veq.f32 v10, v15;
	vm1 =	vlt.s32 v14, v56  }
0x141: {  	v13 =	vsel vm12, s17, v13;
	vm6 =	vgt.f32 v10, v15;
	vm0 =	vmand vm4, vm1  }
0x142: {  	v54 =	vmax.f32 v12, v18;
	v13 =	vshll.u32 v13, $0x7;
	vm0 =	vmor vm6, vm0  }
0x143: {  	v13 =	vor.u32 v57, v13;
	v58 =	vsel vm0, v10, v15;
	v14 =	vsel vm0, v14, v56  }
0x144: {  	vm5 =	vgt.f32 v11, v9;
	vm7 =	veq.f32 v54, v58;
	vm8 =	vlt.s32 v13, v14  }
0x145: {  	v5 =	vsel vm5, s17, v5;
	vm9 =	vgt.f32 v54, v58;
	vm0 =	vmand vm7, vm8  }
0x146: {  	v59 =	vmax.f32 v9, v11;
	v5 =	vshll.u32 v5, $0x7;
	vm0 =	vmor vm9, vm0  }
0x147: {  	v5 =	vor.u32 v60, v5;
	v10 =	vsel vm0, v54, v58;
	v61 =	vsel vm0, v13, v14  }
0x148: {  	vm10 =	veq.f32 v59, v10;
	vm11 =	vlt.s32 v5, v61  }
0x149: {  	v6 =	vmax.f32 v7, v6;
	vm12 =	vgt.f32 v59, v10;
	vm0 =	vmand vm10, vm11  }
0x14a: {  	v7 =	vshll.u32 v8, $0x7;
	v62 =	vor.u32 $0x70, v4;
	vm0 =	vmor vm12, vm0  }
0x14b: {  	v7 =	vor.u32 v62, v7;
	v9 =	vsel vm0, v59, v10;
	v5 =	vsel vm0, v5, v61  }
0x14c: {  	vm13 =	veq.f32 v6, v9;
	vm14 =	vlt.s32 v7, v5  }
0x14d: {  	vm15 =	vgt.f32 v6, v9;
	vm0 =	vmand vm13, vm14  }
0x14e: {  	vm0 =	vmor vm15, vm0  }
0x14f: {  	v6 =	vsel vm0, v6, v9;
	v5 =	vsel vm0, v7, v5  }
0x150: {  	v7 =	vperm.xlane v6, v0;
	v63 =	vperm.xlane v5, v0;
	_ =	sdelay $0x1  }
0x151: {  	vm4 =	veq.f32 v7, v6;
	vm5 =	vlt.s32 v63, v5  }
0x152: {  	vm6 =	vgt.f32 v7, v6;
	vm0 =	vmand vm4, vm5  }
0x153: {  	vm0 =	vmor vm6, vm0  }
0x154: {  	v6 =	vsel vm0, v7, v6;
	v5 =	vsel vm0, v63, v5  }
0x155: {  	v7 =	vperm.xlane v6, v1;
	v8 =	vperm.xlane v5, v1;
	_ =	sdelay $0x1  }
0x156: {  	vm7 =	veq.f32 v7, v6;
	vm8 =	vlt.s32 v8, v5  }
0x157: {  	vm9 =	vgt.f32 v7, v6;
	vm0 =	vmand vm7, vm8  }
0x158: {  	vm0 =	vmor vm9, vm0  }
0x159: {  	v6 =	vsel vm0, v7, v6;
	v5 =	vsel vm0, v8, v5  }
0x15a: {  	v7 =	vperm.xlane v6, v2;
	v8 =	vperm.xlane v5, v2;
	_ =	sdelay $0x1  }
0x15b: {  	vm10 =	veq.f32 v7, v6;
	vm11 =	vlt.s32 v8, v5  }
0x15c: {  	vm12 =	vgt.f32 v7, v6;
	vm0 =	vmand vm10, vm11  }
0x15d: {  	vm0 =	vmor vm12, vm0  }
0x15e: {  	v6 =	vsel vm0, v7, v6;
	v5 =	vsel vm0, v8, v5  }
0x15f: {  	v7 =	vperm.xlane v6, v3;
	v8 =	vperm.xlane v5, v3;
	_ =	sdelay $0x1  }
0x160: {  	vm13 =	veq.f32 v7, v6;
	vm14 =	vlt.s32 v8, v5  }
0x161: {  	vm15 =	vgt.f32 v7, v6;
	vm0 =	vmand vm13, vm14  }
0x162: {  	s16 =	sadd.s32 $0x1, s16;
	vm0 =	vmor vm15, vm0  }
0x163: {  	p0 =	sne.s32 s16, s8;
	v5 =	vsel vm0, v8, v5  }
.Ltmp4:
0x164: {  	[tilespmem:$0x10280] =	vst v5;
	(pc) =	sbr.rel @p0 .LBB2_1-.Ltmp4, $4  }
0x165: {  	[hbm4b:s7+s1] =	stream.linear.scatter [tilespmem:s14], [sflag:$0x3], $0x200, $0x38;
	[tilespmem:$0x10300] =	vst v63  }
0x166: {  	_ =	swait.ge [sflag:s15], $0x200  }
0x167: {  	[sflag:s15] =	ssyncset.done $0x0  }
0x168: {  	[sflag:s15] =	ssyncadd.s32 $0xFFFFFE00  }
0x169: {  	_ =	sfence.sel $0x180000  }
0x16a: {  	[bflag:$0x0] =	sbarrier.arrive $0xFFFF  }
0x16b: {  	p0 =	sne.s32 s2, $0x0;
	_ =	strace $0x90000047  }
0x16c: {  	s0 =	sadd.s32 @!p0 $0x100000, s0;
	[bflag:$0x2] =	sbarrier.arrive $0xFFFF  }
0x16d: {  	[sflag:s0] =	ssyncadd.tile.s32 @!p0 $0x1;
	_ =	shalt  }
.Lfunc_end2:
_tile_overlayer_lowered:
.L_overlay_start_2:
0x16e: {  	(tag) =	ssettag $0x2  }
0x16f: {  	s0 =	rddreg [dreg:$0x0];
	s2 =	stileid.u32  }
0x170: {  	s1 =	rddreg [dreg:$0x1];
	p0 =	sne.s32 s2, $0x0  }
0x171: {  	s3 =	rddreg [dreg:$0x2];
	[bflag:$0x3] =	sbarrier.arrive $0xFFFF;
	s2 =	simm.s32 @!p0 $0x1C03  }
0x172: {  	[timem:s3], [sflag:s2] =	dma.local @!p0 [hbm:s0], s1  }
0x173: {  	s0 =	simm.s32 @!p0 $0x3  }
0x174: {  	_ =	swait.ge @!p0 [sflag:s0], s1  }
0x175: {  	s1 =	ssub.s32 @!p0 $0x0, s1;
	[sflag:s0] =	ssyncset.done @!p0 $0x0  }
0x176: {  	[sflag:s0] =	ssyncadd.s32 @!p0 s1  }
0x177: {  	[bflag:$0x3] =	sbarrier.arrive $0xFFFF  }
0x178: {  	_ =	shalt  }

</sc_bundles>
